<compile_context>
chip_gen: v7x
topology: tpu7x:2x2x1
jax: 0.10.2.dev20260603
libtpu: 0.0.44.dev20260713+nightly
codegen_flags: <defaults>
</compile_context>

<pallas_src>
import functools

import jax
import jax.numpy as jnp
from jax import lax
from jax.experimental import pallas as pl
from jax.experimental.pallas import tpu as pltpu
from jax.experimental.pallas import tpu_sc as plsc

_BINS = (-1.8, -1.5429, -1.2857, -1.0286, -0.7714, -0.5143, -0.2571, 0.0,
         0.2571, 0.5143, 0.7714, 1.0286, 1.2857, 1.5429, 1.8)
_NG = 16
_N = 4096
_L = 16
_NCHUNK = _N // _L
_MSL = _N // _NG
_UNROLL = 4


@jax.jit
def _sc_dispatch(y):
    mesh = plsc.VectorSubcoreMesh(
        core_axis_name="c", subcore_axis_name="s", num_cores=2, num_subcores=16
    )

    @functools.partial(
        pl.kernel,
        out_type=(
            jax.ShapeDtypeStruct((_N,), jnp.int32),
            jax.ShapeDtypeStruct((_N,), jnp.int32),
            jax.ShapeDtypeStruct((_NG,), jnp.int32),
        ),
        mesh=mesh,
        compiler_params=pltpu.CompilerParams(needs_layout_passes=False),
        scratch_types=[
            pltpu.VMEM((_N,), jnp.float32),
            pltpu.VMEM((_MSL,), jnp.int32),
            pltpu.VMEM((_N + _L,), jnp.int32),
            pltpu.VMEM((_L,), jnp.int32),
            pltpu.VMEM((_NG * _L,), jnp.int32),
            pltpu.VMEM((_MSL,), jnp.int32),
            pltpu.VMEM_SHARED((_N + _NG,), jnp.int32),
            pltpu.VMEM_SHARED((_NG * _L,), jnp.int32),
        ],
    )
    def k(y_hbm, m_hbm, order_hbm, counts_hbm,
          y_loc, m_sl, comp, tmp_row, cnt_loc, bounce, order_sh, cnt_sh):
        g = lax.axis_index("s")
        h = lax.axis_index("c")
        iota = lax.iota(jnp.int32, _L)
        base = pl.multiple_of(g * _MSL, _MSL)

        @pl.when(h == 1)
        def _():
            pltpu.sync_copy(y_hbm.at[pl.ds(base, _MSL)], y_loc.at[pl.ds(0, _MSL)])

            def m_body(kk, _):
                yv = y_loc[pl.ds(kk * _L, _L)]
                m = jnp.where(yv > _BINS[0], 1, 0)
                for b in _BINS[1:]:
                    m = m + jnp.where(yv > b, 1, 0)
                m_sl[pl.ds(kk * _L, _L)] = m
                return 0

            lax.fori_loop(0, _MSL // _L, m_body, 0)
            pltpu.sync_copy(m_sl, m_hbm.at[pl.ds(base, _MSL)])

        @pl.when(h == 0)
        def _():
            pltpu.sync_copy(y_hbm, y_loc)

            blo = jnp.float32(float("-inf"))
            for kk in range(1, _NG):
                blo = jnp.where(g == kk, jnp.float32(_BINS[kk - 1]), blo)
            bhi = jnp.float32(float("inf"))
            for kk in range(_NG - 1):
                bhi = jnp.where(g == kk, jnp.float32(_BINS[kk]), bhi)

            z = jnp.zeros((_L,), jnp.int32)

            def scan_body(kk, carry):
                ltv, cbase = carry
                j0 = kk * (_UNROLL * _L)
                eqs = []
                packed = jnp.zeros((_L,), jnp.int32)
                for u in range(_UNROLL):
                    yv = y_loc[pl.ds(j0 + u * _L, _L)]
                    eqm = (yv > blo) & (yv <= bhi)
                    eqs.append(eqm)
                    packed = packed + jnp.where(eqm, 1 << (8 * u), 0)
                    ltv = ltv + jnp.where(yv <= blo, 1, 0)
                pc = plsc.cumsum(packed)
                for u in range(_UNROLL):
                    pcu = (pc >> (8 * u)) & 0xFF
                    pos = jnp.where(eqs[u], cbase + pcu - 1, _N + iota)
                    plsc.store_scatter(comp, [pos], j0 + u * _L + iota)
                    cbase = cbase + plsc.all_reduce_population_count(eqs[u])
                return ltv, cbase

            ltv, cbase = lax.fori_loop(
                0, _NCHUNK // _UNROLL, scan_body, (z, z))
            c = jnp.max(cbase)
            off = jnp.sum(ltv)

            def sc_body(kk, _):
                j = kk * _L + iota
                idxv = jnp.where(j < c, off + j, _N + g)
                pltpu.sync_copy(comp.at[pl.ds(kk * _L, _L)],
                                order_sh.at[idxv])
                return 0

            lax.fori_loop(0, (c + _L - 1) // _L, sc_body, 0)

            tmp_row[...] = z + c
            gb = pl.multiple_of(g * _L, _L)
            pltpu.sync_copy(tmp_row, cnt_sh.at[pl.ds(gb, _L)])

            plsc.subcore_barrier()

            pltpu.sync_copy(order_sh.at[pl.ds(base, _MSL)], bounce)
            pltpu.sync_copy(bounce, order_hbm.at[pl.ds(base, _MSL)])

            @pl.when(g == 0)
            def _():
                pltpu.sync_copy(cnt_sh, cnt_loc)
                counts = jnp.zeros((_L,), jnp.int32)
                for l in range(_NG):
                    counts = jnp.where(
                        iota == l, cnt_loc[pl.ds(l * _L, _L)], counts)
                tmp_row[...] = counts
                pltpu.sync_copy(tmp_row, counts_hbm)

    return k(y)


def kernel(x):
    y = x[0, :, 0]
    memberships, order, counts = _sc_dispatch(y)
    return memberships, order, counts

# --- scband reference (transcript-rebuilt; emitter-appended) ---
"""Pipeline reference for scband-dispatch-by-variable-32693291057743 (READ-ONLY COPY).

The authoritative reference and input builder live on the scoring server;
editing this copy changes nothing except your own understanding.
"""

import jax, jax.numpy as jnp
import numpy as np

BINS = [-1.8, -1.5429, -1.2857, -1.0286, -0.7714, -0.5143, -0.2571, 0.0, 0.2571, 0.5143, 0.7714, 1.0286, 1.2857, 1.5429, 1.8]
VARIABLE = 0
INDEX = 0
NUM_GROUPS = len(BINS) + 1


def setup_inputs(seed: int = 0) -> dict:
    key = jax.random.key(seed)
    x = jax.random.normal(key, (4, 4096, 2048), dtype=jnp.float32)
    return {"x": x}


def reference(x):
    # DispatchByVariable.forward:
    #   y = x[variable][..., index]
    y = x[VARIABLE][..., INDEX]
    # bucketize: result += (y > boundary) for each boundary
    memberships = jnp.zeros(y.shape, dtype=jnp.int32)
    for b in BINS:
        memberships = memberships + (y > b).astype(jnp.int32)
    # GroupBy(memberships): compute_group_indices gathers token indices per bin.
    # Static-shape JAX equivalent: stable argsort groups token indices by bin id
    # (concatenation of group_indices[0..K-1]), plus per-group counts to delimit groups.
    flat = memberships.reshape(-1)
    order = jnp.argsort(flat, stable=True)
    counts = jnp.bincount(flat, length=NUM_GROUPS)
    return memberships, order, counts

if __name__ == "__main__":
    import jax
    _d = setup_inputs()
    print(jax.jit(kernel)(*tuple(_d.values())))

</pallas_src>

<mosaic_0001>
#map = affine_map<(d0, d1) -> (0)>
module attributes {stable_mosaic.version = 14 : i64} {
  func.func @k(%arg0: i32, %arg1: i32, %arg2: memref<4096xf32, #tpu.memory_space<hbm>>, %arg3: memref<4096xi32, #tpu.memory_space<hbm>>, %arg4: memref<4096xi32, #tpu.memory_space<hbm>>, %arg5: memref<16xi32, #tpu.memory_space<hbm>>, %arg6: memref<4096xf32, #tpu.memory_space<vmem>>, %arg7: memref<256xi32, #tpu.memory_space<vmem>>, %arg8: memref<4112xi32, #tpu.memory_space<vmem>>, %arg9: memref<16xi32, #tpu.memory_space<vmem>>, %arg10: memref<256xi32, #tpu.memory_space<vmem>>, %arg11: memref<256xi32, #tpu.memory_space<vmem>>, %arg12: memref<4112xi32, #tpu.memory_space<vmem_shared>>, %arg13: memref<256xi32, #tpu.memory_space<vmem_shared>>) attributes {dimension_semantics = [#tpu.dimension_semantics<core_parallel>, #tpu.dimension_semantics<subcore_parallel>], iteration_bounds = array<i64: 2, 16>, scalar_prefetch = 0 : i64, scratch_operands = 8 : i64, tpu.core_type = #tpu.core_type<sc_vector_subcore>, window_params = [{transform_indices = #map}, {transform_indices = #map}, {transform_indices = #map}, {transform_indices = #map}]} {
    %iota3A = tpu.iota {dimensions = array<i32: 0>} : vector<16xi32>
    %mul3A = arith.constant 256 : i32
    %mul3A_0 = arith.muli %arg1, %mul3A : i32
    %multiple_of3A = tpu.assume_multiple %mul3A_0, 256 : i32
    %eq3A = arith.constant 1 : i32
    %eq3A_1 = arith.cmpi eq, %arg0, %eq3A : i32
    %convert_element_type3A = arith.extui %eq3A_1 : i1 to i32
    %cond3A = arith.constant 0 : i32
    %cond3A_2 = arith.cmpi ne, %convert_element_type3A, %cond3A : i32
    scf.if %cond3A_2 {
      "tpu.region"() ({
        %run_scoped3A = tpu.sem_alloc : memref<!tpu.dma_semaphore, #tpu.memory_space<semaphore_mem>>
        %dma_start3A = arith.constant 0 : i32
        %dma_start3A_14 = tpu.memref_slice %arg6[%dma_start3A] : memref<4096xf32, #tpu.memory_space<vmem>> -> memref<256xf32, #tpu.memory_space<vmem>>
        %dma_start3A_15 = tpu.memref_slice %arg2[%multiple_of3A] : memref<4096xf32, #tpu.memory_space<hbm>> -> memref<256xf32, #tpu.memory_space<hbm>>
        %dma_start3A_16 = arith.constant 0 : i32
        %dma_start3A_17 = tpu.memref_slice %arg6[%dma_start3A_16] : memref<4096xf32, #tpu.memory_space<vmem>> -> memref<256xf32, #tpu.memory_space<vmem>>
        %dma_start3A_18 = tpu.memref_slice %arg2[%multiple_of3A] : memref<4096xf32, #tpu.memory_space<hbm>> -> memref<256xf32, #tpu.memory_space<hbm>>
        tpu.enqueue_dma source(%dma_start3A_18 : memref<256xf32, #tpu.memory_space<hbm>>) target(%dma_start3A_17 : memref<256xf32, #tpu.memory_space<vmem>>) target_semaphore(%run_scoped3A : memref<!tpu.dma_semaphore, #tpu.memory_space<semaphore_mem>>)
        %dma_wait3A = arith.constant 0 : i32
        %dma_wait3A_19 = tpu.memref_slice %arg6[%dma_wait3A] : memref<4096xf32, #tpu.memory_space<vmem>> -> memref<256xf32, #tpu.memory_space<vmem>>
        %dma_wait3A_20 = tpu.memref_slice %arg2[%multiple_of3A] : memref<4096xf32, #tpu.memory_space<hbm>> -> memref<256xf32, #tpu.memory_space<hbm>>
        %dma_wait3A_21 = arith.constant 0 : i32
        %dma_wait3A_22 = tpu.memref_slice %arg6[%dma_wait3A_21] : memref<4096xf32, #tpu.memory_space<vmem>> -> memref<256xf32, #tpu.memory_space<vmem>>
        %dma_wait3A_23 = tpu.memref_slice %arg2[%multiple_of3A] : memref<4096xf32, #tpu.memory_space<hbm>> -> memref<256xf32, #tpu.memory_space<hbm>>
        tpu.wait_dma2 semaphore(%run_scoped3A : memref<!tpu.dma_semaphore, #tpu.memory_space<semaphore_mem>>) src(%dma_wait3A_23 : memref<256xf32, #tpu.memory_space<hbm>>) dst(%dma_wait3A_22 : memref<256xf32, #tpu.memory_space<vmem>>)
        tpu.yield
      }) : () -> ()
      %scan3A = arith.constant 0 : i32
      %scan3A_8 = arith.constant 0 : i32
      %scan3A_9 = arith.constant 16 : i32
      %scan3A_10 = arith.addi %scan3A_8, %scan3A_9 : i32
      %scan3A_11 = arith.constant 1 : i32
      %scan3A_12 = scf.for %scan3A_14 = %scan3A_8 to %scan3A_10 step %scan3A_11 iter_args(%scan3A_15 = %scan3A) -> (i32)  : i32 {
        %mul3A_16 = arith.constant 16 : i32
        %mul3A_17 = arith.muli %scan3A_14, %mul3A_16 : i32
        %get3A = arith.index_cast %mul3A_17 : i32 to index
        %get3A_18 = tpu.vector_load %arg6[%get3A] {strides = array<i32>} : memref<4096xf32, #tpu.memory_space<vmem>>, vector<16xf32>,
        %gt3A = arith.constant -1.800000e+00 : f32
        %gt3A_19 = vector.broadcast %gt3A : f32 to vector<16xf32>
        %gt3A_20 = arith.cmpf ogt, %get3A_18, %gt3A_19 : vector<16xf32>
        %jit3A = arith.constant 1 : i32
        %jit3A_21 = arith.constant 0 : i32
        %broadcast_in_dim3A = vector.broadcast %jit3A : i32 to vector<16xi32>
        %broadcast_in_dim3A_22 = vector.broadcast %jit3A_21 : i32 to vector<16xi32>
        %select_n3A = arith.select %gt3A_20, %broadcast_in_dim3A, %broadcast_in_dim3A_22 : vector<16xi1>, vector<16xi32>
        %gt3A_23 = arith.constant -1.542900e+00 : f32
        %gt3A_24 = vector.broadcast %gt3A_23 : f32 to vector<16xf32>
        %gt3A_25 = arith.cmpf ogt, %get3A_18, %gt3A_24 : vector<16xf32>
        %jit3A_26 = arith.constant 1 : i32
        %jit3A_27 = arith.constant 0 : i32
        %broadcast_in_dim3A_28 = vector.broadcast %jit3A_26 : i32 to vector<16xi32>
        %broadcast_in_dim3A_29 = vector.broadcast %jit3A_27 : i32 to vector<16xi32>
        %select_n3A_30 = arith.select %gt3A_25, %broadcast_in_dim3A_28, %broadcast_in_dim3A_29 : vector<16xi1>, vector<16xi32>
        %add3A = arith.addi %select_n3A, %select_n3A_30 : vector<16xi32>
        %gt3A_31 = arith.constant -1.285700e+00 : f32
        %gt3A_32 = vector.broadcast %gt3A_31 : f32 to vector<16xf32>
        %gt3A_33 = arith.cmpf ogt, %get3A_18, %gt3A_32 : vector<16xf32>
        %jit3A_34 = arith.constant 1 : i32
        %jit3A_35 = arith.constant 0 : i32
        %broadcast_in_dim3A_36 = vector.broadcast %jit3A_34 : i32 to vector<16xi32>
        %broadcast_in_dim3A_37 = vector.broadcast %jit3A_35 : i32 to vector<16xi32>
        %select_n3A_38 = arith.select %gt3A_33, %broadcast_in_dim3A_36, %broadcast_in_dim3A_37 : vector<16xi1>, vector<16xi32>
        %add3A_39 = arith.addi %add3A, %select_n3A_38 : vector<16xi32>
        %gt3A_40 = arith.constant -1.028600e+00 : f32
        %gt3A_41 = vector.broadcast %gt3A_40 : f32 to vector<16xf32>
        %gt3A_42 = arith.cmpf ogt, %get3A_18, %gt3A_41 : vector<16xf32>
        %jit3A_43 = arith.constant 1 : i32
        %jit3A_44 = arith.constant 0 : i32
        %broadcast_in_dim3A_45 = vector.broadcast %jit3A_43 : i32 to vector<16xi32>
        %broadcast_in_dim3A_46 = vector.broadcast %jit3A_44 : i32 to vector<16xi32>
        %select_n3A_47 = arith.select %gt3A_42, %broadcast_in_dim3A_45, %broadcast_in_dim3A_46 : vector<16xi1>, vector<16xi32>
        %add3A_48 = arith.addi %add3A_39, %select_n3A_47 : vector<16xi32>
        %gt3A_49 = arith.constant -0.771399974 : f32
        %gt3A_50 = vector.broadcast %gt3A_49 : f32 to vector<16xf32>
        %gt3A_51 = arith.cmpf ogt, %get3A_18, %gt3A_50 : vector<16xf32>
        %jit3A_52 = arith.constant 1 : i32
        %jit3A_53 = arith.constant 0 : i32
        %broadcast_in_dim3A_54 = vector.broadcast %jit3A_52 : i32 to vector<16xi32>
        %broadcast_in_dim3A_55 = vector.broadcast %jit3A_53 : i32 to vector<16xi32>
        %select_n3A_56 = arith.select %gt3A_51, %broadcast_in_dim3A_54, %broadcast_in_dim3A_55 : vector<16xi1>, vector<16xi32>
        %add3A_57 = arith.addi %add3A_48, %select_n3A_56 : vector<16xi32>
        %gt3A_58 = arith.constant -5.143000e-01 : f32
        %gt3A_59 = vector.broadcast %gt3A_58 : f32 to vector<16xf32>
        %gt3A_60 = arith.cmpf ogt, %get3A_18, %gt3A_59 : vector<16xf32>
        %jit3A_61 = arith.constant 1 : i32
        %jit3A_62 = arith.constant 0 : i32
        %broadcast_in_dim3A_63 = vector.broadcast %jit3A_61 : i32 to vector<16xi32>
        %broadcast_in_dim3A_64 = vector.broadcast %jit3A_62 : i32 to vector<16xi32>
        %select_n3A_65 = arith.select %gt3A_60, %broadcast_in_dim3A_63, %broadcast_in_dim3A_64 : vector<16xi1>, vector<16xi32>
        %add3A_66 = arith.addi %add3A_57, %select_n3A_65 : vector<16xi32>
        %gt3A_67 = arith.constant -2.571000e-01 : f32
        %gt3A_68 = vector.broadcast %gt3A_67 : f32 to vector<16xf32>
        %gt3A_69 = arith.cmpf ogt, %get3A_18, %gt3A_68 : vector<16xf32>
        %jit3A_70 = arith.constant 1 : i32
        %jit3A_71 = arith.constant 0 : i32
        %broadcast_in_dim3A_72 = vector.broadcast %jit3A_70 : i32 to vector<16xi32>
        %broadcast_in_dim3A_73 = vector.broadcast %jit3A_71 : i32 to vector<16xi32>
        %select_n3A_74 = arith.select %gt3A_69, %broadcast_in_dim3A_72, %broadcast_in_dim3A_73 : vector<16xi1>, vector<16xi32>
        %add3A_75 = arith.addi %add3A_66, %select_n3A_74 : vector<16xi32>
        %gt3A_76 = arith.constant 0.000000e+00 : f32
        %gt3A_77 = vector.broadcast %gt3A_76 : f32 to vector<16xf32>
        %gt3A_78 = arith.cmpf ogt, %get3A_18, %gt3A_77 : vector<16xf32>
        %jit3A_79 = arith.constant 1 : i32
        %jit3A_80 = arith.constant 0 : i32
        %broadcast_in_dim3A_81 = vector.broadcast %jit3A_79 : i32 to vector<16xi32>
        %broadcast_in_dim3A_82 = vector.broadcast %jit3A_80 : i32 to vector<16xi32>
        %select_n3A_83 = arith.select %gt3A_78, %broadcast_in_dim3A_81, %broadcast_in_dim3A_82 : vector<16xi1>, vector<16xi32>
        %add3A_84 = arith.addi %add3A_75, %select_n3A_83 : vector<16xi32>
        %gt3A_85 = arith.constant 2.571000e-01 : f32
        %gt3A_86 = vector.broadcast %gt3A_85 : f32 to vector<16xf32>
        %gt3A_87 = arith.cmpf ogt, %get3A_18, %gt3A_86 : vector<16xf32>
        %jit3A_88 = arith.constant 1 : i32
        %jit3A_89 = arith.constant 0 : i32
        %broadcast_in_dim3A_90 = vector.broadcast %jit3A_88 : i32 to vector<16xi32>
        %broadcast_in_dim3A_91 = vector.broadcast %jit3A_89 : i32 to vector<16xi32>
        %select_n3A_92 = arith.select %gt3A_87, %broadcast_in_dim3A_90, %broadcast_in_dim3A_91 : vector<16xi1>, vector<16xi32>
        %add3A_93 = arith.addi %add3A_84, %select_n3A_92 : vector<16xi32>
        %gt3A_94 = arith.constant 5.143000e-01 : f32
        %gt3A_95 = vector.broadcast %gt3A_94 : f32 to vector<16xf32>
        %gt3A_96 = arith.cmpf ogt, %get3A_18, %gt3A_95 : vector<16xf32>
        %jit3A_97 = arith.constant 1 : i32
        %jit3A_98 = arith.constant 0 : i32
        %broadcast_in_dim3A_99 = vector.broadcast %jit3A_97 : i32 to vector<16xi32>
        %broadcast_in_dim3A_100 = vector.broadcast %jit3A_98 : i32 to vector<16xi32>
        %select_n3A_101 = arith.select %gt3A_96, %broadcast_in_dim3A_99, %broadcast_in_dim3A_100 : vector<16xi1>, vector<16xi32>
        %add3A_102 = arith.addi %add3A_93, %select_n3A_101 : vector<16xi32>
        %gt3A_103 = arith.constant 0.771399974 : f32
        %gt3A_104 = vector.broadcast %gt3A_103 : f32 to vector<16xf32>
        %gt3A_105 = arith.cmpf ogt, %get3A_18, %gt3A_104 : vector<16xf32>
        %jit3A_106 = arith.constant 1 : i32
        %jit3A_107 = arith.constant 0 : i32
        %broadcast_in_dim3A_108 = vector.broadcast %jit3A_106 : i32 to vector<16xi32>
        %broadcast_in_dim3A_109 = vector.broadcast %jit3A_107 : i32 to vector<16xi32>
        %select_n3A_110 = arith.select %gt3A_105, %broadcast_in_dim3A_108, %broadcast_in_dim3A_109 : vector<16xi1>, vector<16xi32>
        %add3A_111 = arith.addi %add3A_102, %select_n3A_110 : vector<16xi32>
        %gt3A_112 = arith.constant 1.028600e+00 : f32
        %gt3A_113 = vector.broadcast %gt3A_112 : f32 to vector<16xf32>
        %gt3A_114 = arith.cmpf ogt, %get3A_18, %gt3A_113 : vector<16xf32>
        %jit3A_115 = arith.constant 1 : i32
        %jit3A_116 = arith.constant 0 : i32
        %broadcast_in_dim3A_117 = vector.broadcast %jit3A_115 : i32 to vector<16xi32>
        %broadcast_in_dim3A_118 = vector.broadcast %jit3A_116 : i32 to vector<16xi32>
        %select_n3A_119 = arith.select %gt3A_114, %broadcast_in_dim3A_117, %broadcast_in_dim3A_118 : vector<16xi1>, vector<16xi32>
        %add3A_120 = arith.addi %add3A_111, %select_n3A_119 : vector<16xi32>
        %gt3A_121 = arith.constant 1.285700e+00 : f32
        %gt3A_122 = vector.broadcast %gt3A_121 : f32 to vector<16xf32>
        %gt3A_123 = arith.cmpf ogt, %get3A_18, %gt3A_122 : vector<16xf32>
        %jit3A_124 = arith.constant 1 : i32
        %jit3A_125 = arith.constant 0 : i32
        %broadcast_in_dim3A_126 = vector.broadcast %jit3A_124 : i32 to vector<16xi32>
        %broadcast_in_dim3A_127 = vector.broadcast %jit3A_125 : i32 to vector<16xi32>
        %select_n3A_128 = arith.select %gt3A_123, %broadcast_in_dim3A_126, %broadcast_in_dim3A_127 : vector<16xi1>, vector<16xi32>
        %add3A_129 = arith.addi %add3A_120, %select_n3A_128 : vector<16xi32>
        %gt3A_130 = arith.constant 1.542900e+00 : f32
        %gt3A_131 = vector.broadcast %gt3A_130 : f32 to vector<16xf32>
        %gt3A_132 = arith.cmpf ogt, %get3A_18, %gt3A_131 : vector<16xf32>
        %jit3A_133 = arith.constant 1 : i32
        %jit3A_134 = arith.constant 0 : i32
        %broadcast_in_dim3A_135 = vector.broadcast %jit3A_133 : i32 to vector<16xi32>
        %broadcast_in_dim3A_136 = vector.broadcast %jit3A_134 : i32 to vector<16xi32>
        %select_n3A_137 = arith.select %gt3A_132, %broadcast_in_dim3A_135, %broadcast_in_dim3A_136 : vector<16xi1>, vector<16xi32>
        %add3A_138 = arith.addi %add3A_129, %select_n3A_137 : vector<16xi32>
        %gt3A_139 = arith.constant 1.800000e+00 : f32
        %gt3A_140 = vector.broadcast %gt3A_139 : f32 to vector<16xf32>
        %gt3A_141 = arith.cmpf ogt, %get3A_18, %gt3A_140 : vector<16xf32>
        %jit3A_142 = arith.constant 1 : i32
        %jit3A_143 = arith.constant 0 : i32
        %broadcast_in_dim3A_144 = vector.broadcast %jit3A_142 : i32 to vector<16xi32>
        %broadcast_in_dim3A_145 = vector.broadcast %jit3A_143 : i32 to vector<16xi32>
        %select_n3A_146 = arith.select %gt3A_141, %broadcast_in_dim3A_144, %broadcast_in_dim3A_145 : vector<16xi1>, vector<16xi32>
        %add3A_147 = arith.addi %add3A_138, %select_n3A_146 : vector<16xi32>
        %mul3A_148 = arith.constant 16 : i32
        %mul3A_149 = arith.muli %scan3A_14, %mul3A_148 : i32
        %swap3A = arith.index_cast %mul3A_149 : i32 to index
        %swap3A_150 = tpu.vector_load %arg7[%swap3A] {strides = array<i32>} : memref<256xi32, #tpu.memory_space<vmem>>, vector<16xi32>,
        tpu.vector_store %arg7[%swap3A], %add3A_147 {strides = array<i32>} : memref<256xi32, #tpu.memory_space<vmem>>, vector<16xi32>,
        %scan3A_151 = arith.constant 0 : i32
        scf.yield %scan3A_151 : i32
      }
      %scan3A_13 = arith.constant 16 : i32
      "tpu.region"() ({
        %run_scoped3A = tpu.sem_alloc : memref<!tpu.dma_semaphore, #tpu.memory_space<semaphore_mem>>
        %dma_start3A = tpu.memref_slice %arg3[%multiple_of3A] : memref<4096xi32, #tpu.memory_space<hbm>> -> memref<256xi32, #tpu.memory_space<hbm>>
        %dma_start3A_14 = tpu.memref_slice %arg3[%multiple_of3A] : memref<4096xi32, #tpu.memory_space<hbm>> -> memref<256xi32, #tpu.memory_space<hbm>>
        tpu.enqueue_dma source(%arg7 : memref<256xi32, #tpu.memory_space<vmem>>) target(%dma_start3A_14 : memref<256xi32, #tpu.memory_space<hbm>>) target_semaphore(%run_scoped3A : memref<!tpu.dma_semaphore, #tpu.memory_space<semaphore_mem>>)
        %dma_wait3A = tpu.memref_slice %arg3[%multiple_of3A] : memref<4096xi32, #tpu.memory_space<hbm>> -> memref<256xi32, #tpu.memory_space<hbm>>
        %dma_wait3A_15 = tpu.memref_slice %arg3[%multiple_of3A] : memref<4096xi32, #tpu.memory_space<hbm>> -> memref<256xi32, #tpu.memory_space<hbm>>
        tpu.wait_dma2 semaphore(%run_scoped3A : memref<!tpu.dma_semaphore, #tpu.memory_space<semaphore_mem>>) src(%arg7 : memref<256xi32, #tpu.memory_space<vmem>>) dst(%dma_wait3A_15 : memref<256xi32, #tpu.memory_space<hbm>>)
        tpu.yield
      }) : () -> ()
    } else {
    }
    %eq3A_3 = arith.constant 0 : i32
    %eq3A_4 = arith.cmpi eq, %arg0, %eq3A_3 : i32
    %convert_element_type3A_5 = arith.extui %eq3A_4 : i1 to i32
    %cond3A_6 = arith.constant 0 : i32
    %cond3A_7 = arith.cmpi ne, %convert_element_type3A_5, %cond3A_6 : i32
    scf.if %cond3A_7 {
      "tpu.region"() ({
        %run_scoped3A = tpu.sem_alloc : memref<!tpu.dma_semaphore, #tpu.memory_space<semaphore_mem>>
        tpu.enqueue_dma source(%arg2 : memref<4096xf32, #tpu.memory_space<hbm>>) target(%arg6 : memref<4096xf32, #tpu.memory_space<vmem>>) target_semaphore(%run_scoped3A : memref<!tpu.dma_semaphore, #tpu.memory_space<semaphore_mem>>)
        tpu.wait_dma2 semaphore(%run_scoped3A : memref<!tpu.dma_semaphore, #tpu.memory_space<semaphore_mem>>) src(%arg2 : memref<4096xf32, #tpu.memory_space<hbm>>) dst(%arg6 : memref<4096xf32, #tpu.memory_space<vmem>>)
        tpu.yield
      }) : () -> ()
      %eq3A_8 = arith.constant 1 : i32
      %eq3A_9 = arith.cmpi eq, %arg1, %eq3A_8 : i32
      %jit3A = arith.constant -1.800000e+00 : f32
      %jit3A_10 = arith.constant 0xFF800000 : f32
      %select_n3A = arith.select %eq3A_9, %jit3A, %jit3A_10 : f32
      %eq3A_11 = arith.constant 2 : i32
      %eq3A_12 = arith.cmpi eq, %arg1, %eq3A_11 : i32
      %jit3A_13 = arith.constant -1.542900e+00 : f32
      %select_n3A_14 = arith.select %eq3A_12, %jit3A_13, %select_n3A : f32
      %eq3A_15 = arith.constant 3 : i32
      %eq3A_16 = arith.cmpi eq, %arg1, %eq3A_15 : i32
      %jit3A_17 = arith.constant -1.285700e+00 : f32
      %select_n3A_18 = arith.select %eq3A_16, %jit3A_17, %select_n3A_14 : f32
      %eq3A_19 = arith.constant 4 : i32
      %eq3A_20 = arith.cmpi eq, %arg1, %eq3A_19 : i32
      %jit3A_21 = arith.constant -1.028600e+00 : f32
      %select_n3A_22 = arith.select %eq3A_20, %jit3A_21, %select_n3A_18 : f32
      %eq3A_23 = arith.constant 5 : i32
      %eq3A_24 = arith.cmpi eq, %arg1, %eq3A_23 : i32
      %jit3A_25 = arith.constant -0.771399974 : f32
      %select_n3A_26 = arith.select %eq3A_24, %jit3A_25, %select_n3A_22 : f32
      %eq3A_27 = arith.constant 6 : i32
      %eq3A_28 = arith.cmpi eq, %arg1, %eq3A_27 : i32
      %jit3A_29 = arith.constant -5.143000e-01 : f32
      %select_n3A_30 = arith.select %eq3A_28, %jit3A_29, %select_n3A_26 : f32
      %eq3A_31 = arith.constant 7 : i32
      %eq3A_32 = arith.cmpi eq, %arg1, %eq3A_31 : i32
      %jit3A_33 = arith.constant -2.571000e-01 : f32
      %select_n3A_34 = arith.select %eq3A_32, %jit3A_33, %select_n3A_30 : f32
      %eq3A_35 = arith.constant 8 : i32
      %eq3A_36 = arith.cmpi eq, %arg1, %eq3A_35 : i32
      %jit3A_37 = arith.constant 0.000000e+00 : f32
      %select_n3A_38 = arith.select %eq3A_36, %jit3A_37, %select_n3A_34 : f32
      %eq3A_39 = arith.constant 9 : i32
      %eq3A_40 = arith.cmpi eq, %arg1, %eq3A_39 : i32
      %jit3A_41 = arith.constant 2.571000e-01 : f32
      %select_n3A_42 = arith.select %eq3A_40, %jit3A_41, %select_n3A_38 : f32
      %eq3A_43 = arith.constant 10 : i32
      %eq3A_44 = arith.cmpi eq, %arg1, %eq3A_43 : i32
      %jit3A_45 = arith.constant 5.143000e-01 : f32
      %select_n3A_46 = arith.select %eq3A_44, %jit3A_45, %select_n3A_42 : f32
      %eq3A_47 = arith.constant 11 : i32
      %eq3A_48 = arith.cmpi eq, %arg1, %eq3A_47 : i32
      %jit3A_49 = arith.constant 0.771399974 : f32
      %select_n3A_50 = arith.select %eq3A_48, %jit3A_49, %select_n3A_46 : f32
      %eq3A_51 = arith.constant 12 : i32
      %eq3A_52 = arith.cmpi eq, %arg1, %eq3A_51 : i32
      %jit3A_53 = arith.constant 1.028600e+00 : f32
      %select_n3A_54 = arith.select %eq3A_52, %jit3A_53, %select_n3A_50 : f32
      %eq3A_55 = arith.constant 13 : i32
      %eq3A_56 = arith.cmpi eq, %arg1, %eq3A_55 : i32
      %jit3A_57 = arith.constant 1.285700e+00 : f32
      %select_n3A_58 = arith.select %eq3A_56, %jit3A_57, %select_n3A_54 : f32
      %eq3A_59 = arith.constant 14 : i32
      %eq3A_60 = arith.cmpi eq, %arg1, %eq3A_59 : i32
      %jit3A_61 = arith.constant 1.542900e+00 : f32
      %select_n3A_62 = arith.select %eq3A_60, %jit3A_61, %select_n3A_58 : f32
      %eq3A_63 = arith.constant 15 : i32
      %eq3A_64 = arith.cmpi eq, %arg1, %eq3A_63 : i32
      %jit3A_65 = arith.constant 1.800000e+00 : f32
      %select_n3A_66 = arith.select %eq3A_64, %jit3A_65, %select_n3A_62 : f32
      %eq3A_67 = arith.constant 0 : i32
      %eq3A_68 = arith.cmpi eq, %arg1, %eq3A_67 : i32
      %jit3A_69 = arith.constant -1.800000e+00 : f32
      %jit3A_70 = arith.constant 0x7F800000 : f32
      %select_n3A_71 = arith.select %eq3A_68, %jit3A_69, %jit3A_70 : f32
      %eq3A_72 = arith.constant 1 : i32
      %eq3A_73 = arith.cmpi eq, %arg1, %eq3A_72 : i32
      %jit3A_74 = arith.constant -1.542900e+00 : f32
      %select_n3A_75 = arith.select %eq3A_73, %jit3A_74, %select_n3A_71 : f32
      %eq3A_76 = arith.constant 2 : i32
      %eq3A_77 = arith.cmpi eq, %arg1, %eq3A_76 : i32
      %jit3A_78 = arith.constant -1.285700e+00 : f32
      %select_n3A_79 = arith.select %eq3A_77, %jit3A_78, %select_n3A_75 : f32
      %eq3A_80 = arith.constant 3 : i32
      %eq3A_81 = arith.cmpi eq, %arg1, %eq3A_80 : i32
      %jit3A_82 = arith.constant -1.028600e+00 : f32
      %select_n3A_83 = arith.select %eq3A_81, %jit3A_82, %select_n3A_79 : f32
      %eq3A_84 = arith.constant 4 : i32
      %eq3A_85 = arith.cmpi eq, %arg1, %eq3A_84 : i32
      %jit3A_86 = arith.constant -0.771399974 : f32
      %select_n3A_87 = arith.select %eq3A_85, %jit3A_86, %select_n3A_83 : f32
      %eq3A_88 = arith.constant 5 : i32
      %eq3A_89 = arith.cmpi eq, %arg1, %eq3A_88 : i32
      %jit3A_90 = arith.constant -5.143000e-01 : f32
      %select_n3A_91 = arith.select %eq3A_89, %jit3A_90, %select_n3A_87 : f32
      %eq3A_92 = arith.constant 6 : i32
      %eq3A_93 = arith.cmpi eq, %arg1, %eq3A_92 : i32
      %jit3A_94 = arith.constant -2.571000e-01 : f32
      %select_n3A_95 = arith.select %eq3A_93, %jit3A_94, %select_n3A_91 : f32
      %eq3A_96 = arith.constant 7 : i32
      %eq3A_97 = arith.cmpi eq, %arg1, %eq3A_96 : i32
      %jit3A_98 = arith.constant 0.000000e+00 : f32
      %select_n3A_99 = arith.select %eq3A_97, %jit3A_98, %select_n3A_95 : f32
      %eq3A_100 = arith.constant 8 : i32
      %eq3A_101 = arith.cmpi eq, %arg1, %eq3A_100 : i32
      %jit3A_102 = arith.constant 2.571000e-01 : f32
      %select_n3A_103 = arith.select %eq3A_101, %jit3A_102, %select_n3A_99 : f32
      %eq3A_104 = arith.constant 9 : i32
      %eq3A_105 = arith.cmpi eq, %arg1, %eq3A_104 : i32
      %jit3A_106 = arith.constant 5.143000e-01 : f32
      %select_n3A_107 = arith.select %eq3A_105, %jit3A_106, %select_n3A_103 : f32
      %eq3A_108 = arith.constant 10 : i32
      %eq3A_109 = arith.cmpi eq, %arg1, %eq3A_108 : i32
      %jit3A_110 = arith.constant 0.771399974 : f32
      %select_n3A_111 = arith.select %eq3A_109, %jit3A_110, %select_n3A_107 : f32
      %eq3A_112 = arith.constant 11 : i32
      %eq3A_113 = arith.cmpi eq, %arg1, %eq3A_112 : i32
      %jit3A_114 = arith.constant 1.028600e+00 : f32
      %select_n3A_115 = arith.select %eq3A_113, %jit3A_114, %select_n3A_111 : f32
      %eq3A_116 = arith.constant 12 : i32
      %eq3A_117 = arith.cmpi eq, %arg1, %eq3A_116 : i32
      %jit3A_118 = arith.constant 1.285700e+00 : f32
      %select_n3A_119 = arith.select %eq3A_117, %jit3A_118, %select_n3A_115 : f32
      %eq3A_120 = arith.constant 13 : i32
      %eq3A_121 = arith.cmpi eq, %arg1, %eq3A_120 : i32
      %jit3A_122 = arith.constant 1.542900e+00 : f32
      %select_n3A_123 = arith.select %eq3A_121, %jit3A_122, %select_n3A_119 : f32
      %eq3A_124 = arith.constant 14 : i32
      %eq3A_125 = arith.cmpi eq, %arg1, %eq3A_124 : i32
      %jit3A_126 = arith.constant 1.800000e+00 : f32
      %select_n3A_127 = arith.select %eq3A_125, %jit3A_126, %select_n3A_123 : f32
      %broadcast_in_dim3A = arith.constant 0 : i32
      %broadcast_in_dim3A_128 = vector.broadcast %broadcast_in_dim3A : i32 to vector<16xi32>
      %scan3A = arith.constant 0 : i32
      %scan3A_129 = arith.constant 64 : i32
      %scan3A_130 = arith.addi %scan3A, %scan3A_129 : i32
      %scan3A_131 = arith.constant 1 : i32
      %scan3A_132:2 = scf.for %scan3A_187 = %scan3A to %scan3A_130 step %scan3A_131 iter_args(%scan3A_188 = %broadcast_in_dim3A_128, %scan3A_189 = %broadcast_in_dim3A_128) -> (vector<16xi32>, vector<16xi32>)  : i32 {
        %mul3A_190 = arith.constant 64 : i32
        %mul3A_191 = arith.muli %scan3A_187, %mul3A_190 : i32
        %broadcast_in_dim3A_192 = arith.constant 0 : i32
        %broadcast_in_dim3A_193 = vector.broadcast %broadcast_in_dim3A_192 : i32 to vector<16xi32>
        %add3A_194 = arith.constant 0 : i32
        %add3A_195 = arith.addi %mul3A_191, %add3A_194 : i32
        %get3A = arith.index_cast %add3A_195 : i32 to index
        %get3A_196 = tpu.vector_load %arg6[%get3A] {strides = array<i32>} : memref<4096xf32, #tpu.memory_space<vmem>>, vector<16xf32>,
        %gt3A = vector.broadcast %select_n3A_66 : f32 to vector<16xf32>
        %gt3A_197 = arith.cmpf ogt, %get3A_196, %gt3A : vector<16xf32>
        %le3A = vector.broadcast %select_n3A_127 : f32 to vector<16xf32>
        %le3A_198 = arith.cmpf ole, %get3A_196, %le3A : vector<16xf32>
        %and3A_199 = arith.andi %gt3A_197, %le3A_198 : vector<16xi1>
        %jit3A_200 = arith.constant 1 : i32
        %jit3A_201 = arith.constant 0 : i32
        %broadcast_in_dim3A_202 = vector.broadcast %jit3A_200 : i32 to vector<16xi32>
        %broadcast_in_dim3A_203 = vector.broadcast %jit3A_201 : i32 to vector<16xi32>
        %select_n3A_204 = arith.select %and3A_199, %broadcast_in_dim3A_202, %broadcast_in_dim3A_203 : vector<16xi1>, vector<16xi32>
        %add3A_205 = arith.addi %broadcast_in_dim3A_193, %select_n3A_204 : vector<16xi32>
        %le3A_206 = vector.broadcast %select_n3A_66 : f32 to vector<16xf32>
        %le3A_207 = arith.cmpf ole, %get3A_196, %le3A_206 : vector<16xf32>
        %jit3A_208 = arith.constant 1 : i32
        %jit3A_209 = arith.constant 0 : i32
        %broadcast_in_dim3A_210 = vector.broadcast %jit3A_208 : i32 to vector<16xi32>
        %broadcast_in_dim3A_211 = vector.broadcast %jit3A_209 : i32 to vector<16xi32>
        %select_n3A_212 = arith.select %le3A_207, %broadcast_in_dim3A_210, %broadcast_in_dim3A_211 : vector<16xi1>, vector<16xi32>
        %add3A_213 = arith.addi %scan3A_188, %select_n3A_212 : vector<16xi32>
        %add3A_214 = arith.constant 16 : i32
        %add3A_215 = arith.addi %mul3A_191, %add3A_214 : i32
        %get3A_216 = arith.index_cast %add3A_215 : i32 to index
        %get3A_217 = tpu.vector_load %arg6[%get3A_216] {strides = array<i32>} : memref<4096xf32, #tpu.memory_space<vmem>>, vector<16xf32>,
        %gt3A_218 = vector.broadcast %select_n3A_66 : f32 to vector<16xf32>
        %gt3A_219 = arith.cmpf ogt, %get3A_217, %gt3A_218 : vector<16xf32>
        %le3A_220 = vector.broadcast %select_n3A_127 : f32 to vector<16xf32>
        %le3A_221 = arith.cmpf ole, %get3A_217, %le3A_220 : vector<16xf32>
        %and3A_222 = arith.andi %gt3A_219, %le3A_221 : vector<16xi1>
        %jit3A_223 = arith.constant 256 : i32
        %jit3A_224 = arith.constant 0 : i32
        %broadcast_in_dim3A_225 = vector.broadcast %jit3A_223 : i32 to vector<16xi32>
        %broadcast_in_dim3A_226 = vector.broadcast %jit3A_224 : i32 to vector<16xi32>
        %select_n3A_227 = arith.select %and3A_222, %broadcast_in_dim3A_225, %broadcast_in_dim3A_226 : vector<16xi1>, vector<16xi32>
        %add3A_228 = arith.addi %add3A_205, %select_n3A_227 : vector<16xi32>
        %le3A_229 = vector.broadcast %select_n3A_66 : f32 to vector<16xf32>
        %le3A_230 = arith.cmpf ole, %get3A_217, %le3A_229 : vector<16xf32>
        %jit3A_231 = arith.constant 1 : i32
        %jit3A_232 = arith.constant 0 : i32
        %broadcast_in_dim3A_233 = vector.broadcast %jit3A_231 : i32 to vector<16xi32>
        %broadcast_in_dim3A_234 = vector.broadcast %jit3A_232 : i32 to vector<16xi32>
        %select_n3A_235 = arith.select %le3A_230, %broadcast_in_dim3A_233, %broadcast_in_dim3A_234 : vector<16xi1>, vector<16xi32>
        %add3A_236 = arith.addi %add3A_213, %select_n3A_235 : vector<16xi32>
        %add3A_237 = arith.constant 32 : i32
        %add3A_238 = arith.addi %mul3A_191, %add3A_237 : i32
        %get3A_239 = arith.index_cast %add3A_238 : i32 to index
        %get3A_240 = tpu.vector_load %arg6[%get3A_239] {strides = array<i32>} : memref<4096xf32, #tpu.memory_space<vmem>>, vector<16xf32>,
        %gt3A_241 = vector.broadcast %select_n3A_66 : f32 to vector<16xf32>
        %gt3A_242 = arith.cmpf ogt, %get3A_240, %gt3A_241 : vector<16xf32>
        %le3A_243 = vector.broadcast %select_n3A_127 : f32 to vector<16xf32>
        %le3A_244 = arith.cmpf ole, %get3A_240, %le3A_243 : vector<16xf32>
        %and3A_245 = arith.andi %gt3A_242, %le3A_244 : vector<16xi1>
        %jit3A_246 = arith.constant 65536 : i32
        %jit3A_247 = arith.constant 0 : i32
        %broadcast_in_dim3A_248 = vector.broadcast %jit3A_246 : i32 to vector<16xi32>
        %broadcast_in_dim3A_249 = vector.broadcast %jit3A_247 : i32 to vector<16xi32>
        %select_n3A_250 = arith.select %and3A_245, %broadcast_in_dim3A_248, %broadcast_in_dim3A_249 : vector<16xi1>, vector<16xi32>
        %add3A_251 = arith.addi %add3A_228, %select_n3A_250 : vector<16xi32>
        %le3A_252 = vector.broadcast %select_n3A_66 : f32 to vector<16xf32>
        %le3A_253 = arith.cmpf ole, %get3A_240, %le3A_252 : vector<16xf32>
        %jit3A_254 = arith.constant 1 : i32
        %jit3A_255 = arith.constant 0 : i32
        %broadcast_in_dim3A_256 = vector.broadcast %jit3A_254 : i32 to vector<16xi32>
        %broadcast_in_dim3A_257 = vector.broadcast %jit3A_255 : i32 to vector<16xi32>
        %select_n3A_258 = arith.select %le3A_253, %broadcast_in_dim3A_256, %broadcast_in_dim3A_257 : vector<16xi1>, vector<16xi32>
        %add3A_259 = arith.addi %add3A_236, %select_n3A_258 : vector<16xi32>
        %add3A_260 = arith.constant 48 : i32
        %add3A_261 = arith.addi %mul3A_191, %add3A_260 : i32
        %get3A_262 = arith.index_cast %add3A_261 : i32 to index
        %get3A_263 = tpu.vector_load %arg6[%get3A_262] {strides = array<i32>} : memref<4096xf32, #tpu.memory_space<vmem>>, vector<16xf32>,
        %gt3A_264 = vector.broadcast %select_n3A_66 : f32 to vector<16xf32>
        %gt3A_265 = arith.cmpf ogt, %get3A_263, %gt3A_264 : vector<16xf32>
        %le3A_266 = vector.broadcast %select_n3A_127 : f32 to vector<16xf32>
        %le3A_267 = arith.cmpf ole, %get3A_263, %le3A_266 : vector<16xf32>
        %and3A_268 = arith.andi %gt3A_265, %le3A_267 : vector<16xi1>
        %jit3A_269 = arith.constant 16777216 : i32
        %jit3A_270 = arith.constant 0 : i32
        %broadcast_in_dim3A_271 = vector.broadcast %jit3A_269 : i32 to vector<16xi32>
        %broadcast_in_dim3A_272 = vector.broadcast %jit3A_270 : i32 to vector<16xi32>
        %select_n3A_273 = arith.select %and3A_268, %broadcast_in_dim3A_271, %broadcast_in_dim3A_272 : vector<16xi1>, vector<16xi32>
        %add3A_274 = arith.addi %add3A_251, %select_n3A_273 : vector<16xi32>
        %le3A_275 = vector.broadcast %select_n3A_66 : f32 to vector<16xf32>
        %le3A_276 = arith.cmpf ole, %get3A_263, %le3A_275 : vector<16xf32>
        %jit3A_277 = arith.constant 1 : i32
        %jit3A_278 = arith.constant 0 : i32
        %broadcast_in_dim3A_279 = vector.broadcast %jit3A_277 : i32 to vector<16xi32>
        %broadcast_in_dim3A_280 = vector.broadcast %jit3A_278 : i32 to vector<16xi32>
        %select_n3A_281 = arith.select %le3A_276, %broadcast_in_dim3A_279, %broadcast_in_dim3A_280 : vector<16xi1>, vector<16xi32>
        %add3A_282 = arith.addi %add3A_259, %select_n3A_281 : vector<16xi32>
        %broadcast_in_dim3A_283 = arith.constant true
        %broadcast_in_dim3A_284 = vector.broadcast %broadcast_in_dim3A_283 : i1 to vector<16xi1>
        %masked_cumsum3A = tpu.scan <sum>, %add3A_274 masked %broadcast_in_dim3A_284 : vector<16xi32>, vector<16xi1> -> vector<16xi32>
        %shift_right_arithmetic3A = arith.constant 0 : i32
        %shift_right_arithmetic3A_285 = vector.broadcast %shift_right_arithmetic3A : i32 to vector<16xi32>
        %shift_right_arithmetic3A_286 = arith.shrsi %masked_cumsum3A, %shift_right_arithmetic3A_285 : vector<16xi32>
        %and3A_287 = arith.constant 255 : i32
        %and3A_288 = vector.broadcast %and3A_287 : i32 to vector<16xi32>
        %and3A_289 = arith.andi %shift_right_arithmetic3A_286, %and3A_288 : vector<16xi32>
        %add3A_290 = arith.addi %scan3A_189, %and3A_289 : vector<16xi32>
        %sub3A_291 = arith.constant 1 : i32
        %sub3A_292 = vector.broadcast %sub3A_291 : i32 to vector<16xi32>
        %sub3A_293 = arith.subi %add3A_290, %sub3A_292 : vector<16xi32>
        %add3A_294 = arith.constant 4096 : i32
        %add3A_295 = vector.broadcast %add3A_294 : i32 to vector<16xi32>
        %add3A_296 = arith.addi %add3A_295, %iota3A : vector<16xi32>
        %select_n3A_297 = arith.select %and3A_199, %sub3A_293, %add3A_296 : vector<16xi1>, vector<16xi32>
        %add3A_298 = arith.constant 0 : i32
        %add3A_299 = arith.addi %mul3A_191, %add3A_298 : i32
        %add3A_300 = vector.broadcast %add3A_299 : i32 to vector<16xi32>
        %add3A_301 = arith.addi %add3A_300, %iota3A : vector<16xi32>
        tpu.vector_store_idx %arg8[%select_n3A_297], %add3A_301 : memref<4112xi32, #tpu.memory_space<vmem>>[vector<16xi32>], vector<16xi32>,
        %all_reduce_population_count3A = tpu.all_reduce %and3A_199 {dim = 0 : i64, kind = #tpu.reduction_kind<sum>} : vector<16xi1> -> vector<16xi32>
        %add3A_302 = arith.addi %scan3A_189, %all_reduce_population_count3A : vector<16xi32>
        %shift_right_arithmetic3A_303 = arith.constant 8 : i32
        %shift_right_arithmetic3A_304 = vector.broadcast %shift_right_arithmetic3A_303 : i32 to vector<16xi32>
        %shift_right_arithmetic3A_305 = arith.shrsi %masked_cumsum3A, %shift_right_arithmetic3A_304 : vector<16xi32>
        %and3A_306 = arith.constant 255 : i32
        %and3A_307 = vector.broadcast %and3A_306 : i32 to vector<16xi32>
        %and3A_308 = arith.andi %shift_right_arithmetic3A_305, %and3A_307 : vector<16xi32>
        %add3A_309 = arith.addi %add3A_302, %and3A_308 : vector<16xi32>
        %sub3A_310 = arith.constant 1 : i32
        %sub3A_311 = vector.broadcast %sub3A_310 : i32 to vector<16xi32>
        %sub3A_312 = arith.subi %add3A_309, %sub3A_311 : vector<16xi32>
        %add3A_313 = arith.constant 4096 : i32
        %add3A_314 = vector.broadcast %add3A_313 : i32 to vector<16xi32>
        %add3A_315 = arith.addi %add3A_314, %iota3A : vector<16xi32>
        %select_n3A_316 = arith.select %and3A_222, %sub3A_312, %add3A_315 : vector<16xi1>, vector<16xi32>
        %add3A_317 = arith.constant 16 : i32
        %add3A_318 = arith.addi %mul3A_191, %add3A_317 : i32
        %add3A_319 = vector.broadcast %add3A_318 : i32 to vector<16xi32>
        %add3A_320 = arith.addi %add3A_319, %iota3A : vector<16xi32>
        tpu.vector_store_idx %arg8[%select_n3A_316], %add3A_320 : memref<4112xi32, #tpu.memory_space<vmem>>[vector<16xi32>], vector<16xi32>,
        %all_reduce_population_count3A_321 = tpu.all_reduce %and3A_222 {dim = 0 : i64, kind = #tpu.reduction_kind<sum>} : vector<16xi1> -> vector<16xi32>
        %add3A_322 = arith.addi %add3A_302, %all_reduce_population_count3A_321 : vector<16xi32>
        %shift_right_arithmetic3A_323 = arith.constant 16 : i32
        %shift_right_arithmetic3A_324 = vector.broadcast %shift_right_arithmetic3A_323 : i32 to vector<16xi32>
        %shift_right_arithmetic3A_325 = arith.shrsi %masked_cumsum3A, %shift_right_arithmetic3A_324 : vector<16xi32>
        %and3A_326 = arith.constant 255 : i32
        %and3A_327 = vector.broadcast %and3A_326 : i32 to vector<16xi32>
        %and3A_328 = arith.andi %shift_right_arithmetic3A_325, %and3A_327 : vector<16xi32>
        %add3A_329 = arith.addi %add3A_322, %and3A_328 : vector<16xi32>
        %sub3A_330 = arith.constant 1 : i32
        %sub3A_331 = vector.broadcast %sub3A_330 : i32 to vector<16xi32>
        %sub3A_332 = arith.subi %add3A_329, %sub3A_331 : vector<16xi32>
        %add3A_333 = arith.constant 4096 : i32
        %add3A_334 = vector.broadcast %add3A_333 : i32 to vector<16xi32>
        %add3A_335 = arith.addi %add3A_334, %iota3A : vector<16xi32>
        %select_n3A_336 = arith.select %and3A_245, %sub3A_332, %add3A_335 : vector<16xi1>, vector<16xi32>
        %add3A_337 = arith.constant 32 : i32
        %add3A_338 = arith.addi %mul3A_191, %add3A_337 : i32
        %add3A_339 = vector.broadcast %add3A_338 : i32 to vector<16xi32>
        %add3A_340 = arith.addi %add3A_339, %iota3A : vector<16xi32>
        tpu.vector_store_idx %arg8[%select_n3A_336], %add3A_340 : memref<4112xi32, #tpu.memory_space<vmem>>[vector<16xi32>], vector<16xi32>,
        %all_reduce_population_count3A_341 = tpu.all_reduce %and3A_245 {dim = 0 : i64, kind = #tpu.reduction_kind<sum>} : vector<16xi1> -> vector<16xi32>
        %add3A_342 = arith.addi %add3A_322, %all_reduce_population_count3A_341 : vector<16xi32>
        %shift_right_arithmetic3A_343 = arith.constant 24 : i32
        %shift_right_arithmetic3A_344 = vector.broadcast %shift_right_arithmetic3A_343 : i32 to vector<16xi32>
        %shift_right_arithmetic3A_345 = arith.shrsi %masked_cumsum3A, %shift_right_arithmetic3A_344 : vector<16xi32>
        %and3A_346 = arith.constant 255 : i32
        %and3A_347 = vector.broadcast %and3A_346 : i32 to vector<16xi32>
        %and3A_348 = arith.andi %shift_right_arithmetic3A_345, %and3A_347 : vector<16xi32>
        %add3A_349 = arith.addi %add3A_342, %and3A_348 : vector<16xi32>
        %sub3A_350 = arith.constant 1 : i32
        %sub3A_351 = vector.broadcast %sub3A_350 : i32 to vector<16xi32>
        %sub3A_352 = arith.subi %add3A_349, %sub3A_351 : vector<16xi32>
        %add3A_353 = arith.constant 4096 : i32
        %add3A_354 = vector.broadcast %add3A_353 : i32 to vector<16xi32>
        %add3A_355 = arith.addi %add3A_354, %iota3A : vector<16xi32>
        %select_n3A_356 = arith.select %and3A_268, %sub3A_352, %add3A_355 : vector<16xi1>, vector<16xi32>
        %add3A_357 = arith.constant 48 : i32
        %add3A_358 = arith.addi %mul3A_191, %add3A_357 : i32
        %add3A_359 = vector.broadcast %add3A_358 : i32 to vector<16xi32>
        %add3A_360 = arith.addi %add3A_359, %iota3A : vector<16xi32>
        tpu.vector_store_idx %arg8[%select_n3A_356], %add3A_360 : memref<4112xi32, #tpu.memory_space<vmem>>[vector<16xi32>], vector<16xi32>,
        %all_reduce_population_count3A_361 = tpu.all_reduce %and3A_268 {dim = 0 : i64, kind = #tpu.reduction_kind<sum>} : vector<16xi1> -> vector<16xi32>
        %add3A_362 = arith.addi %add3A_342, %all_reduce_population_count3A_361 : vector<16xi32>
        scf.yield %add3A_282, %add3A_362 : vector<16xi32>, vector<16xi32>
      }
      %scan3A_133 = arith.constant 64 : i32
      %reduce_max3A = arith.constant true
      %reduce_max3A_134 = vector.broadcast %reduce_max3A : i1 to vector<16xi1>
      %reduce_max3A_135 = arith.constant -2147483648 : i32
      %reduce_max3A_136 = vector.broadcast %reduce_max3A_135 : i32 to vector<16xi32>
      %reduce_max3A_137 = arith.xori %scan3A_132#1, %reduce_max3A_136 : vector<16xi32>
      %reduce_max3A_138 = tpu.scan <max>, %reduce_max3A_137 masked %reduce_max3A_134 : vector<16xi32>, vector<16xi1> -> vector<16xi32>
      %reduce_max3A_139 = arith.xori %reduce_max3A_138, %reduce_max3A_136 : vector<16xi32>
      %reduce_max3A_140 = vector.extract %reduce_max3A_139[15] : i32 from vector<16xi32>
      %reduce_sum3A = arith.constant true
      %reduce_sum3A_141 = vector.broadcast %reduce_sum3A : i1 to vector<16xi1>
      %reduce_sum3A_142 = tpu.scan <sum>, %scan3A_132#0 masked %reduce_sum3A_141 : vector<16xi32>, vector<16xi1> -> vector<16xi32>
      %reduce_sum3A_143 = vector.extract %reduce_sum3A_142[15] : i32 from vector<16xi32>
      %add3A = arith.constant 16 : i32
      %add3A_144 = arith.addi %reduce_max3A_140, %add3A : i32
      %sub3A = arith.constant 1 : i32
      %sub3A_145 = arith.subi %add3A_144, %sub3A : i32
      %jit3A_146 = arith.constant 16 : i32
      %div3A = arith.divsi %sub3A_145, %jit3A_146 : i32
      %sign3A = arith.constant 0 : i32
      %sign3A_147 = arith.cmpi sgt, %sub3A_145, %sign3A : i32
      %sign3A_148 = arith.extui %sign3A_147 : i1 to i32
      %sign3A_149 = arith.constant 0 : i32
      %sign3A_150 = arith.cmpi slt, %sub3A_145, %sign3A_149 : i32
      %sign3A_151 = arith.extui %sign3A_150 : i1 to i32
      %sign3A_152 = arith.subi %sign3A_148, %sign3A_151 : i32
      %sign3A_153 = arith.constant 0 : i32
      %sign3A_154 = arith.cmpi sgt, %jit3A_146, %sign3A_153 : i32
      %sign3A_155 = arith.extui %sign3A_154 : i1 to i32
      %sign3A_156 = arith.constant 0 : i32
      %sign3A_157 = arith.cmpi slt, %jit3A_146, %sign3A_156 : i32
      %sign3A_158 = arith.extui %sign3A_157 : i1 to i32
      %sign3A_159 = arith.subi %sign3A_155, %sign3A_158 : i32
      %ne3A = arith.cmpi ne, %sign3A_152, %sign3A_159 : i32
      %rem3A = arith.remsi %sub3A_145, %jit3A_146 : i32
      %ne3A_160 = arith.constant 0 : i32
      %ne3A_161 = arith.cmpi ne, %rem3A, %ne3A_160 : i32
      %and3A = arith.andi %ne3A, %ne3A_161 : i1
      %sub3A_162 = arith.constant 1 : i32
      %sub3A_163 = arith.subi %div3A, %sub3A_162 : i32
      %select_n3A_164 = arith.select %and3A, %sub3A_163, %div3A : i32
      %while3A = arith.constant 0 : i32
      %while3A_165 = arith.constant 0 : i32
      %while3A_166 = arith.subi %select_n3A_164, %while3A : i32
      %while3A_167 = arith.addi %while3A, %while3A_166 : i32
      %while3A_168 = arith.constant 1 : i32
      %while3A_169 = arith.divsi %while3A_166, %while3A_168 : i32
      %while3A_170 = arith.muli %while3A_169, %while3A_168 : i32
      %while3A_171 = arith.addi %while3A, %while3A_170 : i32
      %while3A_172 = arith.constant 1 : i32
      %while3A_173 = scf.for %while3A_187 = %while3A to %while3A_171 step %while3A_172 iter_args(%while3A_188 = %while3A_165) -> (i32)  : i32 {
        %mul3A_189 = arith.constant 16 : i32
        %mul3A_190 = arith.muli %while3A_187, %mul3A_189 : i32
        %add3A_191 = vector.broadcast %mul3A_190 : i32 to vector<16xi32>
        %add3A_192 = arith.addi %add3A_191, %iota3A : vector<16xi32>
        %lt3A = vector.broadcast %reduce_max3A_140 : i32 to vector<16xi32>
        %lt3A_193 = arith.cmpi slt, %add3A_192, %lt3A : vector<16xi32>
        %add3A_194 = vector.broadcast %reduce_sum3A_143 : i32 to vector<16xi32>
        %add3A_195 = arith.addi %add3A_194, %add3A_192 : vector<16xi32>
        %add3A_196 = arith.constant 4096 : i32
        %add3A_197 = arith.addi %add3A_196, %arg1 : i32
        %broadcast_in_dim3A_198 = vector.broadcast %add3A_197 : i32 to vector<16xi32>
        %select_n3A_199 = arith.select %lt3A_193, %add3A_195, %broadcast_in_dim3A_198 : vector<16xi1>, vector<16xi32>
        %mul3A_200 = arith.constant 16 : i32
        %mul3A_201 = arith.muli %while3A_187, %mul3A_200 : i32
        "tpu.region"() ({
          %run_scoped3A = tpu.sem_alloc : memref<!tpu.dma_semaphore, #tpu.memory_space<semaphore_mem>>
          %dma_start3A = tpu.memref_slice %arg8[%mul3A_201] : memref<4112xi32, #tpu.memory_space<vmem>> -> memref<16xi32, #tpu.memory_space<vmem>>
          %dma_start3A_203 = arith.constant 0 : i32
          %dma_start3A_204 = tpu.memref_slice %arg12[%dma_start3A_203] : memref<4112xi32, #tpu.memory_space<vmem_shared>> -> memref<4112xi32, #tpu.memory_space<vmem_shared>>
          tpu.enqueue_indirect_dma source(%dma_start3A : memref<16xi32, #tpu.memory_space<vmem>>) target(%dma_start3A_204 : memref<4112xi32, #tpu.memory_space<vmem_shared>>) offsets(%select_n3A_199 : vector<16xi32>) semaphore(%run_scoped3A : memref<!tpu.dma_semaphore, #tpu.memory_space<semaphore_mem>>)
          %dma_wait3A = tpu.memref_slice %arg8[%mul3A_201] : memref<4112xi32, #tpu.memory_space<vmem>> -> memref<16xi32, #tpu.memory_space<vmem>>
          %dma_wait3A_205 = arith.constant 0 : i32
          %dma_wait3A_206 = tpu.memref_slice %arg12[%dma_wait3A_205] : memref<4112xi32, #tpu.memory_space<vmem_shared>> -> memref<4112xi32, #tpu.memory_space<vmem_shared>>
          tpu.wait_indirect_dma semaphore(%run_scoped3A : memref<!tpu.dma_semaphore, #tpu.memory_space<semaphore_mem>>) src(%dma_wait3A : memref<16xi32, #tpu.memory_space<vmem>>) dst(%dma_wait3A_206 : memref<4112xi32, #tpu.memory_space<vmem_shared>>)
          tpu.yield
        }) : () -> ()
        %while3A_202 = arith.constant 0 : i32
        scf.yield %while3A_202 : i32
      }
      %while3A_174 = arith.constant 1 : i32
      %while3A_175 = scf.for %while3A_187 = %while3A_171 to %while3A_167 step %while3A_174 iter_args(%while3A_188 = %while3A_173) -> (i32)  : i32 {
        %mul3A_189 = arith.constant 16 : i32
        %mul3A_190 = arith.muli %while3A_187, %mul3A_189 : i32
        %add3A_191 = vector.broadcast %mul3A_190 : i32 to vector<16xi32>
        %add3A_192 = arith.addi %add3A_191, %iota3A : vector<16xi32>
        %lt3A = vector.broadcast %reduce_max3A_140 : i32 to vector<16xi32>
        %lt3A_193 = arith.cmpi slt, %add3A_192, %lt3A : vector<16xi32>
        %add3A_194 = vector.broadcast %reduce_sum3A_143 : i32 to vector<16xi32>
        %add3A_195 = arith.addi %add3A_194, %add3A_192 : vector<16xi32>
        %add3A_196 = arith.constant 4096 : i32
        %add3A_197 = arith.addi %add3A_196, %arg1 : i32
        %broadcast_in_dim3A_198 = vector.broadcast %add3A_197 : i32 to vector<16xi32>
        %select_n3A_199 = arith.select %lt3A_193, %add3A_195, %broadcast_in_dim3A_198 : vector<16xi1>, vector<16xi32>
        %mul3A_200 = arith.constant 16 : i32
        %mul3A_201 = arith.muli %while3A_187, %mul3A_200 : i32
        "tpu.region"() ({
          %run_scoped3A = tpu.sem_alloc : memref<!tpu.dma_semaphore, #tpu.memory_space<semaphore_mem>>
          %dma_start3A = tpu.memref_slice %arg8[%mul3A_201] : memref<4112xi32, #tpu.memory_space<vmem>> -> memref<16xi32, #tpu.memory_space<vmem>>
          %dma_start3A_203 = arith.constant 0 : i32
          %dma_start3A_204 = tpu.memref_slice %arg12[%dma_start3A_203] : memref<4112xi32, #tpu.memory_space<vmem_shared>> -> memref<4112xi32, #tpu.memory_space<vmem_shared>>
          tpu.enqueue_indirect_dma source(%dma_start3A : memref<16xi32, #tpu.memory_space<vmem>>) target(%dma_start3A_204 : memref<4112xi32, #tpu.memory_space<vmem_shared>>) offsets(%select_n3A_199 : vector<16xi32>) semaphore(%run_scoped3A : memref<!tpu.dma_semaphore, #tpu.memory_space<semaphore_mem>>)
          %dma_wait3A = tpu.memref_slice %arg8[%mul3A_201] : memref<4112xi32, #tpu.memory_space<vmem>> -> memref<16xi32, #tpu.memory_space<vmem>>
          %dma_wait3A_205 = arith.constant 0 : i32
          %dma_wait3A_206 = tpu.memref_slice %arg12[%dma_wait3A_205] : memref<4112xi32, #tpu.memory_space<vmem_shared>> -> memref<4112xi32, #tpu.memory_space<vmem_shared>>
          tpu.wait_indirect_dma semaphore(%run_scoped3A : memref<!tpu.dma_semaphore, #tpu.memory_space<semaphore_mem>>) src(%dma_wait3A : memref<16xi32, #tpu.memory_space<vmem>>) dst(%dma_wait3A_206 : memref<4112xi32, #tpu.memory_space<vmem_shared>>)
          tpu.yield
        }) : () -> ()
        %while3A_202 = arith.constant 0 : i32
        scf.yield %while3A_202 : i32
      }
      %add3A_176 = vector.broadcast %reduce_max3A_140 : i32 to vector<16xi32>
      %add3A_177 = arith.addi %broadcast_in_dim3A_128, %add3A_176 : vector<16xi32>
      %swap3A = arith.constant 0 : index
      %swap3A_178 = tpu.vector_load %arg9[%swap3A] {strides = array<i32>} : memref<16xi32, #tpu.memory_space<vmem>>, vector<16xi32>,
      tpu.vector_store %arg9[%swap3A], %add3A_177 {strides = array<i32>} : memref<16xi32, #tpu.memory_space<vmem>>, vector<16xi32>,
      %mul3A_179 = arith.constant 16 : i32
      %mul3A_180 = arith.muli %arg1, %mul3A_179 : i32
      %multiple_of3A_181 = tpu.assume_multiple %mul3A_180, 16 : i32
      "tpu.region"() ({
        %run_scoped3A = tpu.sem_alloc : memref<!tpu.dma_semaphore, #tpu.memory_space<semaphore_mem>>
        %dma_start3A = tpu.memref_slice %arg13[%multiple_of3A_181] : memref<256xi32, #tpu.memory_space<vmem_shared>> -> memref<16xi32, #tpu.memory_space<vmem_shared>>
        %dma_start3A_187 = tpu.memref_slice %arg13[%multiple_of3A_181] : memref<256xi32, #tpu.memory_space<vmem_shared>> -> memref<16xi32, #tpu.memory_space<vmem_shared>>
        tpu.enqueue_dma source(%arg9 : memref<16xi32, #tpu.memory_space<vmem>>) target(%dma_start3A_187 : memref<16xi32, #tpu.memory_space<vmem_shared>>) target_semaphore(%run_scoped3A : memref<!tpu.dma_semaphore, #tpu.memory_space<semaphore_mem>>)
        %dma_wait3A = tpu.memref_slice %arg13[%multiple_of3A_181] : memref<256xi32, #tpu.memory_space<vmem_shared>> -> memref<16xi32, #tpu.memory_space<vmem_shared>>
        %dma_wait3A_188 = tpu.memref_slice %arg13[%multiple_of3A_181] : memref<256xi32, #tpu.memory_space<vmem_shared>> -> memref<16xi32, #tpu.memory_space<vmem_shared>>
        tpu.wait_dma2 semaphore(%run_scoped3A : memref<!tpu.dma_semaphore, #tpu.memory_space<semaphore_mem>>) src(%arg9 : memref<16xi32, #tpu.memory_space<vmem>>) dst(%dma_wait3A_188 : memref<16xi32, #tpu.memory_space<vmem_shared>>)
        tpu.yield
      }) : () -> ()
      %barrier3A = arith.constant 0 : index
      tpu.barrier barrier_id(%barrier3A)
      "tpu.region"() ({
        %run_scoped3A = tpu.sem_alloc : memref<!tpu.dma_semaphore, #tpu.memory_space<semaphore_mem>>
        %dma_start3A = tpu.memref_slice %arg12[%multiple_of3A] : memref<4112xi32, #tpu.memory_space<vmem_shared>> -> memref<256xi32, #tpu.memory_space<vmem_shared>>
        %dma_start3A_187 = tpu.memref_slice %arg12[%multiple_of3A] : memref<4112xi32, #tpu.memory_space<vmem_shared>> -> memref<256xi32, #tpu.memory_space<vmem_shared>>
        tpu.enqueue_dma source(%dma_start3A_187 : memref<256xi32, #tpu.memory_space<vmem_shared>>) target(%arg11 : memref<256xi32, #tpu.memory_space<vmem>>) target_semaphore(%run_scoped3A : memref<!tpu.dma_semaphore, #tpu.memory_space<semaphore_mem>>)
        %dma_wait3A = tpu.memref_slice %arg12[%multiple_of3A] : memref<4112xi32, #tpu.memory_space<vmem_shared>> -> memref<256xi32, #tpu.memory_space<vmem_shared>>
        %dma_wait3A_188 = tpu.memref_slice %arg12[%multiple_of3A] : memref<4112xi32, #tpu.memory_space<vmem_shared>> -> memref<256xi32, #tpu.memory_space<vmem_shared>>
        tpu.wait_dma2 semaphore(%run_scoped3A : memref<!tpu.dma_semaphore, #tpu.memory_space<semaphore_mem>>) src(%dma_wait3A_188 : memref<256xi32, #tpu.memory_space<vmem_shared>>) dst(%arg11 : memref<256xi32, #tpu.memory_space<vmem>>)
        tpu.yield
      }) : () -> ()
      "tpu.region"() ({
        %run_scoped3A = tpu.sem_alloc : memref<!tpu.dma_semaphore, #tpu.memory_space<semaphore_mem>>
        %dma_start3A = tpu.memref_slice %arg4[%multiple_of3A] : memref<4096xi32, #tpu.memory_space<hbm>> -> memref<256xi32, #tpu.memory_space<hbm>>
        %dma_start3A_187 = tpu.memref_slice %arg4[%multiple_of3A] : memref<4096xi32, #tpu.memory_space<hbm>> -> memref<256xi32, #tpu.memory_space<hbm>>
        tpu.enqueue_dma source(%arg11 : memref<256xi32, #tpu.memory_space<vmem>>) target(%dma_start3A_187 : memref<256xi32, #tpu.memory_space<hbm>>) target_semaphore(%run_scoped3A : memref<!tpu.dma_semaphore, #tpu.memory_space<semaphore_mem>>)
        %dma_wait3A = tpu.memref_slice %arg4[%multiple_of3A] : memref<4096xi32, #tpu.memory_space<hbm>> -> memref<256xi32, #tpu.memory_space<hbm>>
        %dma_wait3A_188 = tpu.memref_slice %arg4[%multiple_of3A] : memref<4096xi32, #tpu.memory_space<hbm>> -> memref<256xi32, #tpu.memory_space<hbm>>
        tpu.wait_dma2 semaphore(%run_scoped3A : memref<!tpu.dma_semaphore, #tpu.memory_space<semaphore_mem>>) src(%arg11 : memref<256xi32, #tpu.memory_space<vmem>>) dst(%dma_wait3A_188 : memref<256xi32, #tpu.memory_space<hbm>>)
        tpu.yield
      }) : () -> ()
      %eq3A_182 = arith.constant 0 : i32
      %eq3A_183 = arith.cmpi eq, %arg1, %eq3A_182 : i32
      %convert_element_type3A_184 = arith.extui %eq3A_183 : i1 to i32
      %cond3A_185 = arith.constant 0 : i32
      %cond3A_186 = arith.cmpi ne, %convert_element_type3A_184, %cond3A_185 : i32
      scf.if %cond3A_186 {
        "tpu.region"() ({
          %run_scoped3A = tpu.sem_alloc : memref<!tpu.dma_semaphore, #tpu.memory_space<semaphore_mem>>
          tpu.enqueue_dma source(%arg13 : memref<256xi32, #tpu.memory_space<vmem_shared>>) target(%arg10 : memref<256xi32, #tpu.memory_space<vmem>>) target_semaphore(%run_scoped3A : memref<!tpu.dma_semaphore, #tpu.memory_space<semaphore_mem>>)
          tpu.wait_dma2 semaphore(%run_scoped3A : memref<!tpu.dma_semaphore, #tpu.memory_space<semaphore_mem>>) src(%arg13 : memref<256xi32, #tpu.memory_space<vmem_shared>>) dst(%arg10 : memref<256xi32, #tpu.memory_space<vmem>>)
          tpu.yield
        }) : () -> ()
        %broadcast_in_dim3A_187 = arith.constant 0 : i32
        %broadcast_in_dim3A_188 = vector.broadcast %broadcast_in_dim3A_187 : i32 to vector<16xi32>
        %eq3A_189 = arith.constant 0 : i32
        %eq3A_190 = vector.broadcast %eq3A_189 : i32 to vector<16xi32>
        %eq3A_191 = arith.cmpi eq, %iota3A, %eq3A_190 : vector<16xi32>
        %get3A = arith.constant 0 : index
        %get3A_192 = tpu.vector_load %arg10[%get3A] {strides = array<i32>} : memref<256xi32, #tpu.memory_space<vmem>>, vector<16xi32>,
        %select_n3A_193 = arith.select %eq3A_191, %get3A_192, %broadcast_in_dim3A_188 : vector<16xi1>, vector<16xi32>
        %eq3A_194 = arith.constant 1 : i32
        %eq3A_195 = vector.broadcast %eq3A_194 : i32 to vector<16xi32>
        %eq3A_196 = arith.cmpi eq, %iota3A, %eq3A_195 : vector<16xi32>
        %get3A_197 = arith.constant 16 : index
        %get3A_198 = tpu.vector_load %arg10[%get3A_197] {strides = array<i32>} : memref<256xi32, #tpu.memory_space<vmem>>, vector<16xi32>,
        %select_n3A_199 = arith.select %eq3A_196, %get3A_198, %select_n3A_193 : vector<16xi1>, vector<16xi32>
        %eq3A_200 = arith.constant 2 : i32
        %eq3A_201 = vector.broadcast %eq3A_200 : i32 to vector<16xi32>
        %eq3A_202 = arith.cmpi eq, %iota3A, %eq3A_201 : vector<16xi32>
        %get3A_203 = arith.constant 32 : index
        %get3A_204 = tpu.vector_load %arg10[%get3A_203] {strides = array<i32>} : memref<256xi32, #tpu.memory_space<vmem>>, vector<16xi32>,
        %select_n3A_205 = arith.select %eq3A_202, %get3A_204, %select_n3A_199 : vector<16xi1>, vector<16xi32>
        %eq3A_206 = arith.constant 3 : i32
        %eq3A_207 = vector.broadcast %eq3A_206 : i32 to vector<16xi32>
        %eq3A_208 = arith.cmpi eq, %iota3A, %eq3A_207 : vector<16xi32>
        %get3A_209 = arith.constant 48 : index
        %get3A_210 = tpu.vector_load %arg10[%get3A_209] {strides = array<i32>} : memref<256xi32, #tpu.memory_space<vmem>>, vector<16xi32>,
        %select_n3A_211 = arith.select %eq3A_208, %get3A_210, %select_n3A_205 : vector<16xi1>, vector<16xi32>
        %eq3A_212 = arith.constant 4 : i32
        %eq3A_213 = vector.broadcast %eq3A_212 : i32 to vector<16xi32>
        %eq3A_214 = arith.cmpi eq, %iota3A, %eq3A_213 : vector<16xi32>
        %get3A_215 = arith.constant 64 : index
        %get3A_216 = tpu.vector_load %arg10[%get3A_215] {strides = array<i32>} : memref<256xi32, #tpu.memory_space<vmem>>, vector<16xi32>,
        %select_n3A_217 = arith.select %eq3A_214, %get3A_216, %select_n3A_211 : vector<16xi1>, vector<16xi32>
        %eq3A_218 = arith.constant 5 : i32
        %eq3A_219 = vector.broadcast %eq3A_218 : i32 to vector<16xi32>
        %eq3A_220 = arith.cmpi eq, %iota3A, %eq3A_219 : vector<16xi32>
        %get3A_221 = arith.constant 80 : index
        %get3A_222 = tpu.vector_load %arg10[%get3A_221] {strides = array<i32>} : memref<256xi32, #tpu.memory_space<vmem>>, vector<16xi32>,
        %select_n3A_223 = arith.select %eq3A_220, %get3A_222, %select_n3A_217 : vector<16xi1>, vector<16xi32>
        %eq3A_224 = arith.constant 6 : i32
        %eq3A_225 = vector.broadcast %eq3A_224 : i32 to vector<16xi32>
        %eq3A_226 = arith.cmpi eq, %iota3A, %eq3A_225 : vector<16xi32>
        %get3A_227 = arith.constant 96 : index
        %get3A_228 = tpu.vector_load %arg10[%get3A_227] {strides = array<i32>} : memref<256xi32, #tpu.memory_space<vmem>>, vector<16xi32>,
        %select_n3A_229 = arith.select %eq3A_226, %get3A_228, %select_n3A_223 : vector<16xi1>, vector<16xi32>
        %eq3A_230 = arith.constant 7 : i32
        %eq3A_231 = vector.broadcast %eq3A_230 : i32 to vector<16xi32>
        %eq3A_232 = arith.cmpi eq, %iota3A, %eq3A_231 : vector<16xi32>
        %get3A_233 = arith.constant 112 : index
        %get3A_234 = tpu.vector_load %arg10[%get3A_233] {strides = array<i32>} : memref<256xi32, #tpu.memory_space<vmem>>, vector<16xi32>,
        %select_n3A_235 = arith.select %eq3A_232, %get3A_234, %select_n3A_229 : vector<16xi1>, vector<16xi32>
        %eq3A_236 = arith.constant 8 : i32
        %eq3A_237 = vector.broadcast %eq3A_236 : i32 to vector<16xi32>
        %eq3A_238 = arith.cmpi eq, %iota3A, %eq3A_237 : vector<16xi32>
        %get3A_239 = arith.constant 128 : index
        %get3A_240 = tpu.vector_load %arg10[%get3A_239] {strides = array<i32>} : memref<256xi32, #tpu.memory_space<vmem>>, vector<16xi32>,
        %select_n3A_241 = arith.select %eq3A_238, %get3A_240, %select_n3A_235 : vector<16xi1>, vector<16xi32>
        %eq3A_242 = arith.constant 9 : i32
        %eq3A_243 = vector.broadcast %eq3A_242 : i32 to vector<16xi32>
        %eq3A_244 = arith.cmpi eq, %iota3A, %eq3A_243 : vector<16xi32>
        %get3A_245 = arith.constant 144 : index
        %get3A_246 = tpu.vector_load %arg10[%get3A_245] {strides = array<i32>} : memref<256xi32, #tpu.memory_space<vmem>>, vector<16xi32>,
        %select_n3A_247 = arith.select %eq3A_244, %get3A_246, %select_n3A_241 : vector<16xi1>, vector<16xi32>
        %eq3A_248 = arith.constant 10 : i32
        %eq3A_249 = vector.broadcast %eq3A_248 : i32 to vector<16xi32>
        %eq3A_250 = arith.cmpi eq, %iota3A, %eq3A_249 : vector<16xi32>
        %get3A_251 = arith.constant 160 : index
        %get3A_252 = tpu.vector_load %arg10[%get3A_251] {strides = array<i32>} : memref<256xi32, #tpu.memory_space<vmem>>, vector<16xi32>,
        %select_n3A_253 = arith.select %eq3A_250, %get3A_252, %select_n3A_247 : vector<16xi1>, vector<16xi32>
        %eq3A_254 = arith.constant 11 : i32
        %eq3A_255 = vector.broadcast %eq3A_254 : i32 to vector<16xi32>
        %eq3A_256 = arith.cmpi eq, %iota3A, %eq3A_255 : vector<16xi32>
        %get3A_257 = arith.constant 176 : index
        %get3A_258 = tpu.vector_load %arg10[%get3A_257] {strides = array<i32>} : memref<256xi32, #tpu.memory_space<vmem>>, vector<16xi32>,
        %select_n3A_259 = arith.select %eq3A_256, %get3A_258, %select_n3A_253 : vector<16xi1>, vector<16xi32>
        %eq3A_260 = arith.constant 12 : i32
        %eq3A_261 = vector.broadcast %eq3A_260 : i32 to vector<16xi32>
        %eq3A_262 = arith.cmpi eq, %iota3A, %eq3A_261 : vector<16xi32>
        %get3A_263 = arith.constant 192 : index
        %get3A_264 = tpu.vector_load %arg10[%get3A_263] {strides = array<i32>} : memref<256xi32, #tpu.memory_space<vmem>>, vector<16xi32>,
        %select_n3A_265 = arith.select %eq3A_262, %get3A_264, %select_n3A_259 : vector<16xi1>, vector<16xi32>
        %eq3A_266 = arith.constant 13 : i32
        %eq3A_267 = vector.broadcast %eq3A_266 : i32 to vector<16xi32>
        %eq3A_268 = arith.cmpi eq, %iota3A, %eq3A_267 : vector<16xi32>
        %get3A_269 = arith.constant 208 : index
        %get3A_270 = tpu.vector_load %arg10[%get3A_269] {strides = array<i32>} : memref<256xi32, #tpu.memory_space<vmem>>, vector<16xi32>,
        %select_n3A_271 = arith.select %eq3A_268, %get3A_270, %select_n3A_265 : vector<16xi1>, vector<16xi32>
        %eq3A_272 = arith.constant 14 : i32
        %eq3A_273 = vector.broadcast %eq3A_272 : i32 to vector<16xi32>
        %eq3A_274 = arith.cmpi eq, %iota3A, %eq3A_273 : vector<16xi32>
        %get3A_275 = arith.constant 224 : index
        %get3A_276 = tpu.vector_load %arg10[%get3A_275] {strides = array<i32>} : memref<256xi32, #tpu.memory_space<vmem>>, vector<16xi32>,
        %select_n3A_277 = arith.select %eq3A_274, %get3A_276, %select_n3A_271 : vector<16xi1>, vector<16xi32>
        %eq3A_278 = arith.constant 15 : i32
        %eq3A_279 = vector.broadcast %eq3A_278 : i32 to vector<16xi32>
        %eq3A_280 = arith.cmpi eq, %iota3A, %eq3A_279 : vector<16xi32>
        %get3A_281 = arith.constant 240 : index
        %get3A_282 = tpu.vector_load %arg10[%get3A_281] {strides = array<i32>} : memref<256xi32, #tpu.memory_space<vmem>>, vector<16xi32>,
        %select_n3A_283 = arith.select %eq3A_280, %get3A_282, %select_n3A_277 : vector<16xi1>, vector<16xi32>
        %swap3A_284 = arith.constant 0 : index
        %swap3A_285 = tpu.vector_load %arg9[%swap3A_284] {strides = array<i32>} : memref<16xi32, #tpu.memory_space<vmem>>, vector<16xi32>,
        tpu.vector_store %arg9[%swap3A_284], %select_n3A_283 {strides = array<i32>} : memref<16xi32, #tpu.memory_space<vmem>>, vector<16xi32>,
        "tpu.region"() ({
          %run_scoped3A = tpu.sem_alloc : memref<!tpu.dma_semaphore, #tpu.memory_space<semaphore_mem>>
          tpu.enqueue_dma source(%arg9 : memref<16xi32, #tpu.memory_space<vmem>>) target(%arg5 : memref<16xi32, #tpu.memory_space<hbm>>) target_semaphore(%run_scoped3A : memref<!tpu.dma_semaphore, #tpu.memory_space<semaphore_mem>>)
          tpu.wait_dma2 semaphore(%run_scoped3A : memref<!tpu.dma_semaphore, #tpu.memory_space<semaphore_mem>>) src(%arg9 : memref<16xi32, #tpu.memory_space<vmem>>) dst(%arg5 : memref<16xi32, #tpu.memory_space<hbm>>)
          tpu.yield
        }) : () -> ()
      } else {
      }
    } else {
    }
    return
  }
}

</mosaic_0001>

<sc_bundles>
// kernel: _sc_dispatch.3.cloned.1.call-start
scs
__scs_entry_jumppad:
0x0: {  	(pc) =	sbr.rel $0x88, $3  }
0x1: {  	(tag) =	ssettag $0x0;
	lr =	simm.s32 $0x1  }
0x2: {  	[smem:$0x3FA0] =	sst lr;
	_ =	strace $0xD0000000  }
0x3: {  	_ = 	snop  }
0x4: {  	_ = 	snop  }
0x5: {  	_ = 	snop  }
0x6: {  	_ = 	snop  }
0x7: {  	_ = 	snop  }
__scs_overlays_trampoline_lowered:
0x8: {  	[smem:$0x3FAF] =	sst s0  }
0x9: {  	[smem:$0x3FB0] =	sst s1  }
0xa: {  	[smem:$0x3FB1] =	sst s2  }
0xb: {  	[smem:$0x3FB2] =	sst s3  }
0xc: {  	[smem:$0x3FB3] =	sst s4  }
0xd: {  	[smem:$0x3FB4] =	sst s5  }
0xe: {  	[smem:$0x3FB5] =	sst s6  }
0xf: {  	[smem:$0x3FB6] =	sst s7  }
0x10: {  	[smem:$0x3FB7] =	sst s8  }
0x11: {  	[smem:$0x3FB8] =	sst s9;
	s0 =	simm.s32 @!p0 $0x0  }
0x12: {  	s1 =	sld [smem:$0x3F9E];
	s0 =	simm.s32 @p0 $0x1  }
0x13: {  	[smem:$0x3FB9] =	sst s0;
	s0 =	simm.s32 @!p1 $0x0  }
0x14: {  	s2 =	sld [smem:$0x3F9D];
	s0 =	simm.s32 @p1 $0x1  }
0x15: {  	[smem:$0x3FBA] =	sst s0;
	s0 =	simm.s32 @!p2 $0x0  }
0x16: {  	s3 =	sld [smem:$0x3FDB];
	s0 =	simm.s32 @p2 $0x1  }
0x17: {  	s4 =	simm.s32 $0x1BF5;
	[smem:$0x3FBC] =	sst s0  }
0x18: {  	s0 =	sld [smem:$0x3F9F];
	_ =	swait.ge [sflag:s4], $0x0  }
0x19: {  	s7 =	sld [smem:$0x3FA0]  }
0x1a: {  	s8 =	sadd.s32 $0xFFFFE003, lr  }
0x1b: {  	s9 =	sadd.s32 $0xFFFFFEF7, lr;
	s5 =	simm.s32 $0xFFFFFFFF;
	p2 =	slt.u32 s8, $0xFFFFF086  }
0x1c: {  	p1 =	slt.u32 s9, $0xF7A;
	s5 =	simm.s32 @!p2 $0x0  }
0x1d: {  	s5 =	simm.s32 @p1 $0x1;
	p0 =	seq.s32 s7, s2  }
0x1e: {  	s7 =	smul.u32 @!p0 $0xF7A, s2;
	p2 =	seq.s32 @!p0 s5, $0x0  }
0x1f: {  	s9 =	smul.u32 $0xF7A, s1;
	s8 =	simm.s32 @!p0 $0x1BF5;
	p2 =	por !p2, p0  }
0x20: {  	[sflag:s8] =	ssyncset.s32 @!p0 $0xFFFFF086;
	s6 =	sadd.s32 @!p0 s3, s7;
	s7 =	simm.s32 @!p0 $0x108  }
0x21: {  	s3 =	sadd.s32 s3, s9;
	s6 =	sadd.s32 @!p0 $0x88, s6;
	s7 =	simm.s32 @p2 $0x1082  }
0x22: {  	[simem:s7], [sflag:s8] =	dma.local @!p0 [hbm:s6], $0xF7A  }
0x23: {  	s9 =	sor.u32 $0xD0000000, s2;
	s6 =	simm.s32 $0x108;
	_ =	swait.ge @!p0 [sflag:s8], $0x0  }
0x24: {  	s3 =	sadd.s32 $0x88, s3;
	s6 =	simm.s32 @!p1 $0x1082;
	[sflag:s4] =	ssyncset.s32 $0xFFFFF086  }
0x25: {  	[simem:s6], [sflag:s4] =	dma.local [hbm:s3], $0xF7A  }
0x26: {  	[smem:$0x3FA0] =	sst s1;
	(tag) =	ssettag s2;
	_ =	strace s9  }
0x27: {  	s1 =	sld [smem:$0x3FB0]  }
0x28: {  	s2 =	sld [smem:$0x3FB1]  }
0x29: {  	s4 =	sld [smem:$0x3FB3]  }
0x2a: {  	p0 =	seq.s32 s5, $0x0;
	s5 =	sld [smem:$0x3FB4]  }
0x2b: {  	s6 =	sld [smem:$0x3FB5]  }
0x2c: {  	s7 =	sld [smem:$0x3FB6]  }
0x2d: {  	s3 =	simm.s32 $0x108;
	s8 =	sld [smem:$0x3FB7]  }
0x2e: {  	s3 =	simm.s32 @!p0 $0x1082;
	s9 =	sld [smem:$0x3FB8]  }
0x2f: {  	lr =	sadd.s32 s0, s3;
	s0 =	sld [smem:$0x3FAF]  }
0x30: {  	s3 =	sld [smem:$0x3FB2]  }
0x31: {  	[smem:$0x3FBB] =	sst s10  }
0x32: {  	s10 =	sld [smem:$0x3FB9];
	_ =	sdelay $0x3  }
0x33: {  	p0 =	seq.s32 s10, $0x1;
	s10 =	sld [smem:$0x3FBB];
	_ =	sdelay $0x3  }
0x34: {  	[smem:$0x3FBB] =	sst s10  }
0x35: {  	s10 =	sld [smem:$0x3FBA];
	_ =	sdelay $0x3  }
0x36: {  	p1 =	seq.s32 s10, $0x1;
	s10 =	sld [smem:$0x3FBB];
	_ =	sdelay $0x3  }
0x37: {  	[smem:$0x3FBB] =	sst s10  }
0x38: {  	s10 =	sld [smem:$0x3FBC]  }
0x39: {  	_ = 	snop;
	(pc) =	sbr.ind lr, $3  }
0x3a: {  	_ = 	snop  }
0x3b: {  	_ = 	snop  }
0x3c: {  	p2 =	seq.s32 s10, $0x1;
	s10 =	sld [smem:$0x3FBB]  }
0x3d: {  	_ =	shalt  }
0x3e: {  	_ =	shalt  }
0x3f: {  	_ =	shalt  }
0x40: {  	_ =	shalt  }
0x41: {  	_ =	shalt  }
0x42: {  	_ =	shalt  }
0x43: {  	_ =	shalt  }
0x44: {  	_ =	shalt  }
0x45: {  	_ =	shalt  }
0x46: {  	_ =	shalt  }
0x47: {  	_ =	shalt  }
0x48: {  	_ =	shalt  }
0x49: {  	_ =	shalt  }
0x4a: {  	_ =	shalt  }
0x4b: {  	_ =	shalt  }
0x4c: {  	_ =	shalt  }
0x4d: {  	_ =	shalt  }
0x4e: {  	_ =	shalt  }
0x4f: {  	_ =	shalt  }
0x50: {  	_ =	shalt  }
0x51: {  	_ =	shalt  }
0x52: {  	_ =	shalt  }
0x53: {  	_ =	shalt  }
0x54: {  	_ =	shalt  }
0x55: {  	_ =	shalt  }
0x56: {  	_ =	shalt  }
0x57: {  	_ =	shalt  }
0x58: {  	_ =	shalt  }
0x59: {  	_ =	shalt  }
0x5a: {  	_ =	shalt  }
0x5b: {  	_ =	shalt  }
0x5c: {  	_ =	shalt  }
0x5d: {  	_ =	shalt  }
0x5e: {  	_ =	shalt  }
0x5f: {  	_ =	shalt  }
0x60: {  	_ =	shalt  }
0x61: {  	_ =	shalt  }
0x62: {  	_ =	shalt  }
0x63: {  	_ =	shalt  }
0x64: {  	_ =	shalt  }
0x65: {  	_ =	shalt  }
0x66: {  	_ =	shalt  }
0x67: {  	_ =	shalt  }
0x68: {  	_ =	shalt  }
0x69: {  	_ =	shalt  }
0x6a: {  	_ =	shalt  }
0x6b: {  	_ =	shalt  }
0x6c: {  	_ =	shalt  }
0x6d: {  	_ =	shalt  }
0x6e: {  	_ =	shalt  }
0x6f: {  	_ =	shalt  }
0x70: {  	_ =	shalt  }
0x71: {  	_ =	shalt  }
0x72: {  	_ =	shalt  }
0x73: {  	_ =	shalt  }
0x74: {  	_ =	shalt  }
0x75: {  	_ =	shalt  }
0x76: {  	_ =	shalt  }
0x77: {  	_ =	shalt  }
0x78: {  	_ =	shalt  }
0x79: {  	_ =	shalt  }
0x7a: {  	_ =	shalt  }
0x7b: {  	_ =	shalt  }
0x7c: {  	_ =	shalt  }
0x7d: {  	_ =	shalt  }
0x7e: {  	_ =	shalt  }
0x7f: {  	_ =	shalt  }
0x80: {  	_ =	shalt  }
0x81: {  	_ =	shalt  }
0x82: {  	_ =	shalt  }
0x83: {  	_ =	shalt  }
0x84: {  	_ =	shalt  }
0x85: {  	_ =	shalt  }
0x86: {  	_ =	shalt  }
0x87: {  	_ =	shalt  }
.Lfunc_end0:
.L_simem_size_0:
called_computation_lowered:
.L_overlay_start_0:
0x88: {  	s2 =	sld [smem:$0x3FD9]  }
0x89: {  	s3 =	sld [smem:$0x3FFE];
	_ =	sdelay $0x1  }
0x8a: {  	s1 =	srdreg.scid  }
0x8b: {  	s0 =	sand.u32 $0x1, s1  }
0x8c: {  	s15 =	sshll.u32 s0, $0xA;
	s2 =	sadd.s32 s3, s2  }
0x8d: {  	s2 =	sadd.s32 s2, s15  }
0x8e: {  	[smem:$0x3FC7] =	sst s2  }
0x8f: {  	_ = 	snop  }
0x90: {  	s2 =	sld [smem:$0x3FD0];
	_ =	sdelay $0x2  }
0x91: {  	s4 =	simm.s32 $0xA;
	s5 =	simm.s32 $0x10;
	s16 =	sld [smem:$0x3FC9]  }
0x92: {  	[smem:s5], [sflag:s4] =	dma.local [hbm:s2], $0x1  }
0x93: {  	_ =	swait.eq [sflag:s4], $0x1  }
0x94: {  	s17 =	sld [smem:$0x10];
	[sflag:s4] =	ssyncset.done $0x0  }
0x95: {  	s18 =	sld [smem:$0x11];
	[sflag:s4] =	ssyncadd.s32 $0xFFFFFFFF  }
0x96: {  	s19 =	sld [smem:$0x12];
	(tm) =	ssettm $0x1  }
0x97: {  	s6 =	sld [smem:$0x3FFB];
	_ =	sdelay $0x3  }
0x98: {  	_ =	strace s6  }
0x99: {  	s6 =	sld [smem:$0x3FFC];
	_ =	sdelay $0x3  }
0x9a: {  	_ =	strace s6  }
0x9b: {  	s6 =	sld [smem:$0x3FFD];
	_ =	sdelay $0x3  }
0x9c: {  	_ =	strace s6  }
0x9d: {  	_ =	strace $0x8FFFFFFF  }
0x9e: {  	s20 =	sld [smem:$0x3FDB];
	_ =	sdelay $0x1  }
0x9f: {  	s7 =	simm.s32 $_scs_section_size  }
0xa0: {  	s8 =	simm.s32 $_size__tile_overlayer_lowered;
	s9 =	simm.s32 $_tile_overlayer_lowered  }
0xa1: {  	s23 =	simm.s32 $0x1BFF;
	s22 =	sshll.u32 s9, $0x1;
	s6 =	sadd.s32 s7, s20  }
0xa2: {  	s10 =	simm.s32 $0x0;
	s21 =	sshll.u32 s8, $0x1;
	s8 =	sadd.s32 s22, s6  }
0xa3: {  	[timem:s10], [sflag:s23] =	dma.local [hbm:s8], s21  }
0xa4: {  	_ =	swait.ge [sflag:s23], s21  }
0xa5: {  	s7 =	ssub.s32 $0x0, s21;
	[sflag:s23] =	ssyncset.done $0x0  }
0xa6: {  	[sflag:s23] =	ssyncadd.s32 s7;
	_ =	sdelay $0x1  }
0xa7: {  	s24 =	simm.s32 $0x1B8B  }
0xa8: {  	_ =	swait.ge [sflag:s24], $0x1  }
0xa9: {  	[sflag:s24] =	ssyncset.done $0x0  }
0xaa: {  	s25 =	simm.s32 $0x1B8E;
	[sflag:s24] =	ssyncadd.s32 $0xFFFFFFFF  }
0xab: {  	s26 =	simm.s32 $execute0_lowered;
	[smem:$0x3FD2] =	sst s25  }
0xac: {  	s7 =	sshll.u32 s26, $0x1;
	_ =	strace $0x80000046;
	[dreg:$0x1] =	wrdreg $0xFFFFFFFF  }
0xad: {  	s28 =	simm.s32 $_size_execute0_lowered;
	s6 =	sadd.s32 s6, s7;
	[dreg:$0x0] =	wrdreg $0x0  }
0xae: {  	s7 =	sshll.u32 s28, $0x1;
	[dreg:$0x2] =	wrdreg s6  }
0xaf: {  	[dreg:$0x3] =	wrdreg s7  }
0xb0: {  	[dreg:$0x4] =	wrdreg $0xC0  }
0xb1: {  	_ =	task [dreg:s10], $0x5FFFF  }
0xb2: {  	[dreg:$0x1] =	wrdreg $0xFFFFFFFF  }
0xb3: {  	[dreg:$0x0] =	wrdreg $0x60  }
0xb4: {  	[dreg:$0x2] =	wrdreg s16  }
0xb5: {  	[dreg:$0x3] =	wrdreg s17  }
0xb6: {  	[dreg:$0x4] =	wrdreg s18  }
0xb7: {  	[dreg:$0x5] =	wrdreg s19  }
0xb8: {  	[dreg:$0x6] =	wrdreg $0x24000  }
0xb9: {  	[dreg:$0x7] =	wrdreg $0x25080  }
0xba: {  	[dreg:$0x8] =	wrdreg $0x9  }
0xbb: {  	_ =	task.clear_ibuf [dreg:s10], $0x9FFFF;
	_ =	strace $0x90000046  }
0xbc: {  	s29 =	simm.s32 $0x9;
	_ =	strace $0x80000048  }
0xbd: {  	_ =	swait.ge [sflag:s29], $0x1  }
0xbe: {  	[sflag:s29] =	ssyncadd.s32 $0xFFFFFFFF  }
0xbf: {  	_ =	strace $0x90000048  }
0xc0: {  	_ =	sfence  }
0xc1: {  	s30 =	sld [smem:$0x0];
	_ =	sdelay $0x2  }
0xc2: {  	s31 =	sshll.u32 s1, $0xD;
	s1 =	sshrl.u32 s1, $0x2  }
0xc3: {  	s3 =	sand.u32 $0x4000, s31;
	s1 =	sadd.s32 s1, s30  }
0xc4: {  	s0 =	sor.u32 s3, s0;
	s1 =	sshll.u32 s1, $0x11  }
0xc5: {  	s0 =	sor.u32 s1, s0  }
0xc6: {  	s0 =	sadd.s32 $0x8F2B, s0  }
0xc7: {  	[sflag:s0] =	ssyncadd.remote.s32 $0x1  }
0xc8: {  	_ =	sfence.sel $0xFFFF  }
0xc9: {  	[dreg:$0x0] =	wrdreg $0xFFFFFFFF;
	(pc) =	sbr.abs _section_cstart, $3  }
0xca: {  	[dreg:$0x1] =	wrdreg $0xFFFFFFFF  }
0xcb: {  	_ =	task.clear_ibuf [dreg:s10], $0x2FFFF;
	_ =	strace $0x9FFFFFFF  }
0xcc: {  	(tm) =	ssettm $0x7FFFFFFF  }
0xcd: {  	_ =	shalt  }
tec
execute0_lowered:
.L_overlay_start_1:
0x0: {  	(tag) =	ssettag $0x1  }
0x1: {  	s6 =	stileid.u32  }
0x2: {  	s7 =	simm.f32 $-1.799999950e+00;
	p0 =	seq.s32 s6, $0x1  }
0x3: {  	p1 =	seq.s32 s6, $0x2;
	s7 =	simm.s32 @!p0 $0xFF800000  }
0x4: {  	p5 =	seq.s32 s6, $0x3;
	s7 =	simm.s32 @p1 $0xBFC57DBF  }
0x5: {  	p6 =	seq.s32 s6, $0x4;
	s7 =	simm.s32 @p5 $0xBFA491D1  }
0x6: {  	p3 =	seq.s32 s6, $0x5;
	p2 =	seq.s32 s6, $0x6;
	s7 =	simm.s32 @p6 $0xBF83A92A  }
0x7: {  	s0 =	simm.s32 @!p2 $0x0;
	s7 =	simm.s32 @p3 $0xBF457A78  }
0x8: {  	s0 =	simm.s32 @p2 $0x1;
	s7 =	simm.s32 @p2 $0xBF03A92A;
	p2 =	seq.s32 s6, $0x7  }
0x9: {  	s8 =	simm.f32 $-1.799999950e+00;
	[smem:$0x7FB] =	sst s0;
	s0 =	simm.s32 @!p2 $0x0  }
0xa: {  	s7 =	simm.s32 @p2 $0xBE83A29C;
	s0 =	simm.s32 @p2 $0x1;
	p2 =	seq.s32 s6, $0x8  }
0xb: {  	p4 =	seq.s32 s6, $0x9;
	[smem:$0x7FC] =	sst s0;
	s0 =	simm.s32 @!p2 $0x0  }
0xc: {  	s7 =	simm.s32 @p2 $0x0;
	s0 =	simm.s32 @p2 $0x1;
	p2 =	seq.s32 s6, $0x0  }
0xd: {  	s7 =	simm.s32 @p4 $0x3E83A29C;
	s8 =	simm.s32 @!p2 $0x7F800000  }
0xe: {  	p2 =	seq.s32 s6, $0xA;
	s8 =	simm.s32 @p0 $0xBFC57DBF  }
0xf: {  	s7 =	simm.s32 @p2 $0x3F03A92A;
	p0 =	seq.s32 s6, $0xB  }
0x10: {  	s8 =	simm.s32 @p1 $0xBFA491D1;
	s7 =	simm.s32 @p0 $0x3F457A78  }
0x11: {  	s25 =	sld [smem:$0x7FB];
	p1 =	seq.s32 s6, $0xC;
	s8 =	simm.s32 @p5 $0xBF83A92A  }
0x12: {  	s26 =	sld [smem:$0x7FC];
	s7 =	simm.s32 @p1 $0x3F83A92A;
	p5 =	seq.s32 s6, $0xD  }
0x13: {  	s8 =	simm.s32 @p6 $0xBF457A78;
	s7 =	simm.s32 @p5 $0x3FA491D1  }
0x14: {  	[smem:$0x7FD] =	sst s0;
	p6 =	seq.s32 s6, $0xE;
	s8 =	simm.s32 @p3 $0xBF03A92A  }
0x15: {  	s1 =	sld [smem:$0x7FD];
	s7 =	simm.s32 @p6 $0x3FC57DBF;
	p3 =	seq.s32 s6, $0xF  }
0x16: {  	s7 =	simm.s32 @p3 $0x3FE66666;
	p3 =	seq.s32 s25, $0x1  }
0x17: {  	s10 =	rddreg [dreg:$0x1];
	s8 =	simm.s32 @p3 $0xBE83A29C;
	p3 =	seq.s32 s26, $0x1  }
0x18: {  	s9 =	rddreg [dreg:$0x2];
	s8 =	simm.s32 @p3 $0x0;
	p3 =	seq.s32 s1, $0x1  }
0x19: {  	s2 =	rddreg [dreg:$0x3];
	s8 =	simm.s32 @p3 $0x3E83A29C  }
0x1a: {  	s3 =	rddreg [dreg:$0x4];
	s8 =	simm.s32 @p4 $0x3F03A92A  }
0x1b: {  	s4 =	rddreg [dreg:$0x5];
	s8 =	simm.s32 @p2 $0x3F457A78  }
0x1c: {  	s5 =	simm.s32 $0x0;
	s8 =	simm.s32 @p0 $0x3F83A92A;
	p0 =	sne.s32 s6, $0x0  }
0x1d: {  	v6 =	vimm.s32 $0x0;
	[smem:$0x7FF] =	sst s5;
	vm1 =	vmmov @!p0 $0x1  }
0x1e: {  	s0 =	rddreg [dreg:$0x0];
	v6 =	vsel vm1, $0xFFFFFFFF, v6  }
0x1f: {  	s1 =	rddreg [dreg:$0x6];
	_ =	strace $0x80000047;
	vm1 =	vmmov @!p0 $0x3;
	[tilespmem:$0x1FFA0] =	vst v6;
	v6 =	vimm.s32 $0x0  }
0x20: {  	v3 =	vlaneseq.u32;
	v6 =	vsel vm1, $0xFFFFFFFF, v6  }
0x21: {  	s11 =	srdreg.scid;
	v4 =	vimm.s32 $0x0;
	s14 =	simm.s32 $0x1100;
	vm1 =	vmmov @!p0 $0x7;
	[tilespmem:$0x1FFB0] =	vst v6;
	v6 =	vimm.s32 $0x0  }
0x22: {  	vm0 =	vmmov $0xffff;
	s15 =	simm.s32 $0x2180;
	s16 =	simm.s32 $0x2300;
	s28 =	sor.u32 $0x1000, s6;
	v5 =	vor.u32 $0x1000, v3;
	v6 =	vsel vm1, $0xFFFFFFFF, v6  }
0x23: {  	s17 =	simm.s32 $0x0;
	s11 =	sand.u32 $0x1, s11;
	s29 =	sshll.u32 s6, $0x4;
	v2 =	vmov s28;
	vm1 =	vmmov @!p0 $0xf;
	[tilespmem:$0x1FFC0] =	vst v6;
	v6 =	vimm.s32 $0x0  }
0x24: {  	s30 =	sshll.u32 s6, $0x8;
	s31 =	sshll.u32 s6, $0x5;
	s12 =	ssub.s32 $0x2, s11;
	v0 =	vmov s7;
	vm7 =	vmmov @!p0 $0x7f;
	v6 =	vsel vm1, $0xFFFFFFFF, v6  }
.Ltmp0:
0x25: {  	s10 =	sadd.s32 s10, s31;
	s13 =	sshrl.u32 s12, $0x1;
	vm8 =	vmmov @!p0 $0xff;
	vm1 =	vmmov @!p0 $0x1f;
	[tilespmem:$0x1FFD0] =	vst v6;
	v6 =	vimm.s32 $0x0;
	(pc) =	sbr.rel .LBB2_1-.Ltmp0, $4  }
0x26: {  	s12 =	ssub.s32 s12, s13;
	s13 =	simm.s32 $0x1000;
	s8 =	simm.s32 @p1 $0x3FA491D1;
	vm9 =	vmmov @!p0 $0x1ff;
	vm10 =	vmmov @!p0 $0x3ff;
	v6 =	vsel vm1, $0xFFFFFFFF, v6  }
0x27: {  	s7 =	sadd.s32 s30, s3;
	s6 =	sadd.s32 s29, s4;
	vm11 =	vmmov @!p0 $0x7ff;
	s8 =	simm.s32 @p5 $0x3FC57DBF;
	vm1 =	vmmov @!p0 $0x3f;
	[tilespmem:$0x1FFE0] =	vst v6;
	v6 =	vimm.s32 $0x0  }
0x28: {  	p1 =	seq.s32 s11, $0x1;
	s11 =	smax.u32 s12, $0x1;
	vm12 =	vmmov @!p0 $0xfff;
	vm13 =	vmmov @!p0 $0x1fff;
	s8 =	simm.s32 @p6 $0x3FE66666;
	v6 =	vsel vm1, $0xFFFFFFFF, v6  }
0x29: {  	s12 =	simm.s32 $0x1;
	vm14 =	vmmov @!p0 $0x3fff;
	vm15 =	vmmov @!p0 $0x7fff;
	v1 =	vmov s8;
	s8 =	sadd.s32 s9, s31;
	s9 =	sadd.s32 s0, s31;
	[tilespmem:$0x1FFF0] =	vst v6  }
.LBB2_9:
0x2a: {  	s20 =	simm.s32 $0x1100  }
.LBB2_13:
0x2b: {  	_ =	sdelay $0x1  }
0x2c: {  	s19 =	sadd.s32 @p2 $0x10, s20  }
0x2d: {  	[sflag:s12] =	ssyncadd.s32 @p2 $0xFFFFFFF0;
	s18 =	smov.u32 @p2 s19  }
0x2e: {  	[spmem:s3] =	stream.indirect_vreg.scatter [tilespmem:s18], [sflag:$0x1], $0x1, v8, vm0, $0xb8;
	[tilespmem:$0x2518] =	vst v63  }
0x2f: {  	_ =	swait.ge [sflag:s12], $0x10  }
0x30: {  	[sflag:s12] =	ssyncset.done $0x0  }
0x31: {  	[sflag:s12] =	ssyncadd.s32 $0xFFFFFFF0  }
.LBB2_14:
0x32: {  	[tilespmem:$0x2180] =	vst v7  }
0x33: {  	[spmem:s6] =	stream.linear.scatter [tilespmem:s15], [sflag:$0x1], $0x10, $0x38;
	[tilespmem:$0x2518] =	vst v63  }
0x34: {  	_ =	swait.ge [sflag:s12], $0x10  }
0x35: {  	[sflag:s12] =	ssyncset.done $0x0  }
0x36: {  	[sflag:s12] =	ssyncadd.s32 $0xFFFFFFF0  }
0x37: {  	[bflag:$0x0] =	sbarrier.arrive $0xFFFF  }
0x38: {  	[tilespmem:s16], [sflag:$0x1] =	stream.linear.gather [spmem:s7], $0x100, $0x38;
	[tilespmem:$0x2518] =	vst v63  }
0x39: {  	_ =	swait.ge [sflag:s12], $0x100  }
0x3a: {  	[sflag:s12] =	ssyncset.done $0x0  }
0x3b: {  	[sflag:s12] =	ssyncadd.s32 $0xFFFFFF00  }
0x3c: {  	[hbm4b:s8+s5] =	stream.linear.scatter [tilespmem:s16], [sflag:$0x1], $0x100, $0x38;
	[tilespmem:$0x2518] =	vst v63  }
0x3d: {  	_ =	swait.ge [sflag:s12], $0x100  }
0x3e: {  	[sflag:s12] =	ssyncset.done $0x0  }
0x3f: {  	s18 =	simm.s32 @!p0 $0x2200;
	[sflag:s12] =	ssyncadd.s32 $0xFFFFFF00  }
0x40: {  	[tilespmem:s18], [sflag:$0x1] =	stream.linear.gather @!p0 [spmem:s4], $0x100, $0x38;
	[tilespmem:$0x2518] =	vst v63  }
0x41: {  	s18 =	simm.s32 @!p0 $0x1  }
0x42: {  	_ =	swait.ge @!p0 [sflag:s18], $0x100  }
0x43: {  	v12 =	vld [tilespmem:$0x1FFA0]  }
0x44: {  	v59 =	vld [tilespmem:$0x1FFB0]  }
0x45: {  	v60 =	vld [tilespmem:$0x1FFC0]  }
0x46: {  	v61 =	vld [tilespmem:$0x1FFD0]  }
0x47: {  	[sflag:s18] =	ssyncset.done @!p0 $0x0;
	v62 =	vld [tilespmem:$0x1FFE0]  }
0x48: {  	v63 =	vld [tilespmem:$0x1FFF0];
	[sflag:s18] =	ssyncadd.s32 @!p0 $0xFFFFFF00  }
0x49: {  	v6 =	vld @!p0 [tilespmem:$0x2200]  }
0x4a: {  	v7 =	vld @!p0 [tilespmem:$0x2210]  }
0x4b: {  	v8 =	vld @!p0 [tilespmem:$0x2220]  }
0x4c: {  	v9 =	vld @!p0 [tilespmem:$0x2230]  }
0x4d: {  	v10 =	vld @!p0 [tilespmem:$0x2240]  }
0x4e: {  	v11 =	vld @!p0 [tilespmem:$0x2250];
	vm1 =	vnez.u8 v12  }
0x4f: {  	v6 =	vsel @!p0 vm1, v6, v7;
	v7 =	vld @!p0 [tilespmem:$0x2260];
	vm1 =	vnez.u8 v59  }
0x50: {  	v6 =	vsel @!p0 vm1, v6, v8;
	v8 =	vld @!p0 [tilespmem:$0x2270];
	vm1 =	vnez.u8 v60  }
0x51: {  	v6 =	vsel @!p0 vm1, v6, v9;
	v9 =	vld @!p0 [tilespmem:$0x2280];
	vm1 =	vnez.u8 v61  }
0x52: {  	v6 =	vsel @!p0 vm1, v6, v10;
	v10 =	vld @!p0 [tilespmem:$0x2290];
	vm1 =	vnez.u8 v62  }
0x53: {  	v6 =	vsel @!p0 vm1, v6, v11;
	v11 =	vld @!p0 [tilespmem:$0x22A0];
	vm1 =	vnez.u8 v63  }
0x54: {  	v6 =	vsel @!p0 vm1, v6, v7;
	v7 =	vld @!p0 [tilespmem:$0x22B0]  }
0x55: {  	v6 =	vsel @!p0 vm7, v6, v8;
	v8 =	vld @!p0 [tilespmem:$0x22C0]  }
0x56: {  	v6 =	vsel @!p0 vm8, v6, v9;
	v9 =	vld @!p0 [tilespmem:$0x22D0]  }
0x57: {  	v6 =	vsel @!p0 vm9, v6, v10;
	v10 =	vld @!p0 [tilespmem:$0x22E0]  }
0x58: {  	v6 =	vsel @!p0 vm10, v6, v11;
	v11 =	vld @!p0 [tilespmem:$0x22F0]  }
0x59: {  	v6 =	vsel @!p0 vm11, v6, v7  }
0x5a: {  	v6 =	vsel @!p0 vm12, v6, v8  }
0x5b: {  	v6 =	vsel @!p0 vm13, v6, v9  }
0x5c: {  	v6 =	vsel @!p0 vm14, v6, v10  }
0x5d: {  	v6 =	vsel @!p0 vm15, v6, v11  }
0x5e: {  	s19 =	simm.s32 @!p0 $0x0;
	s20 =	simm.s32 @!p0 $0x2180;
	[tilespmem:$0x2180] =	vst @!p0 v6  }
0x5f: {  	[hbm4b:s2+s19] =	stream.linear.scatter @!p0 [tilespmem:s20], [sflag:$0x1], $0x80, $0x38;
	[tilespmem:$0x2518] =	vst v63  }
0x60: {  	_ =	swait.ge @!p0 [sflag:s18], $0x80  }
0x61: {  	[sflag:s18] =	ssyncset.done @!p0 $0x0  }
0x62: {  	[sflag:s18] =	ssyncadd.s32 @!p0 $0xFFFFFF80  }
.LBB2_15:
0x63: {  	s17 =	sadd.s32 $0x1, s17  }
0x64: {  	p2 =	sne.s32 s17, s11  }
.Ltmp1:
0x65: {  	_ = 	snop;
	(pc) =	sbr.rel @!p2 .LBB2_16-.Ltmp1, $1  }
0x66: {  	_ =	sdelay $0x3  }
.LBB2_1:
.Ltmp2:
0x67: {  	(pc) =	sbr.rel @!p1 .LBB2_5-.Ltmp2, $2  }
0x68: {  	_ =	sdelay $0x2  }
0x69: {  	s18 =	simm.s32 $0x0  }
0x6a: {  	[tilespmem:s18], [sflag:$0x1] =	stream.linear.gather [hbm4b:s9+s18], $0x100, $0x38;
	[tilespmem:$0x2518] =	vst v63  }
0x6b: {  	_ =	swait.ge [sflag:s12], $0x100  }
0x6c: {  	[sflag:s12] =	ssyncset.done $0x0  }
0x6d: {  	s18 =	simm.s32 $0x0;
	[sflag:s12] =	ssyncadd.s32 $0xFFFFFF00  }
0x6e: {  	v6 =	vld [tilespmem:s18+$0x0];
	_ =	sdelay $0x4  }
0x6f: {  	vm1 =	vgt.f32 v6, $-1.799999950e+00;
	vm2 =	vgt.f32 v6, $-1.542899970e+00  }
0x70: {  	v7 =	vsel vm1, $0x1, v4;
	v8 =	vsel vm2, $0x1, v4;
	vm1 =	vgt.f32 v6, $-1.285699960e+00  }
0x71: {  	v7 =	vadd.s32 v8, v7;
	v8 =	vsel vm1, $0x1, v4;
	vm1 =	vgt.f32 v6, $-1.028599980e+00  }
0x72: {  	v7 =	vadd.s32 v8, v7;
	v8 =	vsel vm1, $0x1, v4;
	vm1 =	vgt.f32 v6, $-7.713999740e-01  }
0x73: {  	v7 =	vadd.s32 v8, v7;
	v8 =	vsel vm1, $0x1, v4;
	vm1 =	vgt.f32 v6, $-5.142999890e-01  }
0x74: {  	v7 =	vadd.s32 v8, v7;
	v8 =	vsel vm1, $0x1, v4;
	vm1 =	vgt.f32 v6, $-2.570999860e-01  }
0x75: {  	v7 =	vadd.s32 v8, v7;
	v8 =	vsel vm1, $0x1, v4;
	vm1 =	vgt.f32 v6, $0.0e+00  }
0x76: {  	v7 =	vadd.s32 v8, v7;
	v8 =	vsel vm1, $0x1, v4;
	vm1 =	vgt.f32 v6, $2.570999860e-01  }
0x77: {  	v7 =	vadd.s32 v8, v7;
	v8 =	vsel vm1, $0x1, v4;
	vm1 =	vgt.f32 v6, $5.142999890e-01  }
0x78: {  	s19 =	simm.s32 $0x10;
	s20 =	simm.s32 $0x80;
	v7 =	vadd.s32 v8, v7;
	v8 =	vsel vm1, $0x1, v4;
	vm1 =	vgt.f32 v6, $7.713999740e-01  }
.LBB2_3:
0x79: {  	p2 =	sne.s32 s20, $0x3C0;
	v9 =	vld [tilespmem:s19+$0x0];
	v7 =	vadd.s32 v8, v7;
	v8 =	vsel vm1, $0x1, v4;
	vm1 =	vgt.f32 v6, $1.028599980e+00  }
0x7a: {  	v7 =	vadd.s32 v8, v7;
	v8 =	vsel vm1, $0x1, v4;
	vm1 =	vgt.f32 v6, $1.285699960e+00  }
0x7b: {  	v7 =	vadd.s32 v8, v7;
	v8 =	vsel vm1, $0x1, v4;
	vm1 =	vgt.f32 v6, $1.542899970e+00  }
0x7c: {  	v7 =	vadd.s32 v8, v7;
	v8 =	vsel vm1, $0x1, v4;
	vm1 =	vgt.f32 v6, $1.799999950e+00  }
0x7d: {  	v8 =	vadd.s32 v8, v7;
	v7 =	vsel vm1, $0x1, v4  }
0x7e: {  	vm1 =	vgt.f32 v9, $-1.799999950e+00;
	vm2 =	vgt.f32 v9, $-1.542899970e+00;
	v7 =	vadd.s32 v7, v8;
	v6 =	vmovc v9  }
0x7f: {  	v8 =	vsel vm1, $0x1, v4;
	v9 =	vsel vm2, $0x1, v4;
	vm1 =	vgt.f32 v6, $-1.285699960e+00;
	[tilespmem:s18+$0x1000] =	vst v7;
	s18 =	smov.u32 s19  }
0x80: {  	v7 =	vadd.s32 v9, v8;
	v8 =	vsel vm1, $0x1, v4;
	vm1 =	vgt.f32 v6, $-1.028599980e+00  }
0x81: {  	v7 =	vadd.s32 v8, v7;
	v8 =	vsel vm1, $0x1, v4;
	vm1 =	vgt.f32 v6, $-7.713999740e-01  }
0x82: {  	v7 =	vadd.s32 v8, v7;
	v8 =	vsel vm1, $0x1, v4;
	vm1 =	vgt.f32 v6, $-5.142999890e-01  }
.Ltmp3:
0x83: {  	v7 =	vadd.s32 v8, v7;
	v8 =	vsel vm1, $0x1, v4;
	vm1 =	vgt.f32 v6, $-2.570999860e-01;
	(pc) =	sbr.rel @p2 .LBB2_3-.Ltmp3, $4  }
0x84: {  	v7 =	vadd.s32 v8, v7;
	v8 =	vsel vm1, $0x1, v4;
	vm1 =	vgt.f32 v6, $0.0e+00  }
0x85: {  	v7 =	vadd.s32 v8, v7;
	v8 =	vsel vm1, $0x1, v4;
	vm1 =	vgt.f32 v6, $2.570999860e-01  }
0x86: {  	v7 =	vadd.s32 v8, v7;
	v8 =	vsel vm1, $0x1, v4;
	vm1 =	vgt.f32 v6, $5.142999890e-01  }
0x87: {  	s19 =	sshra.s32 s20, $0x2;
	s20 =	sadd.s32 $0x40, s20;
	v7 =	vadd.s32 v8, v7;
	v8 =	vsel vm1, $0x1, v4;
	vm1 =	vgt.f32 v6, $7.713999740e-01  }
0x88: {  	v9 =	vld [tilespmem:s19+$0x0];
	_ =	sdelay $0x1  }
0x89: {  	v7 =	vadd.s32 v8, v7;
	v46 =	vsel vm1, $0x1, v4;
	vm1 =	vgt.f32 v6, $1.028599980e+00  }
0x8a: {  	v7 =	vadd.s32 v46, v7;
	v47 =	vsel vm1, $0x1, v4  }
0x8b: {  	vm1 =	vgt.f32 v6, $1.285699960e+00;
	v7 =	vadd.s32 v47, v7  }
0x8c: {  	v48 =	vsel vm1, $0x1, v4;
	vm1 =	vgt.f32 v9, $-1.799999950e+00;
	vm2 =	vgt.f32 v9, $-1.542899970e+00  }
0x8d: {  	v10 =	vsel vm1, $0x1, v4;
	v11 =	vsel vm2, $0x1, v4;
	vm1 =	vgt.f32 v9, $-1.285699960e+00  }
0x8e: {  	v10 =	vadd.s32 v11, v10;
	v49 =	vsel vm1, $0x1, v4;
	vm1 =	vgt.f32 v9, $-1.028599980e+00  }
0x8f: {  	v10 =	vadd.s32 v49, v10;
	v50 =	vsel vm1, $0x1, v4;
	vm1 =	vgt.f32 v9, $-7.713999740e-01  }
0x90: {  	v10 =	vadd.s32 v50, v10;
	v51 =	vsel vm1, $0x1, v4;
	vm1 =	vgt.f32 v9, $-5.142999890e-01  }
0x91: {  	v10 =	vadd.s32 v51, v10;
	v52 =	vsel vm1, $0x1, v4;
	vm1 =	vgt.f32 v9, $-2.570999860e-01  }
0x92: {  	v10 =	vadd.s32 v52, v10;
	v53 =	vsel vm1, $0x1, v4;
	vm1 =	vgt.f32 v9, $0.0e+00  }
0x93: {  	v10 =	vadd.s32 v53, v10;
	v54 =	vsel vm1, $0x1, v4;
	vm1 =	vgt.f32 v9, $2.570999860e-01  }
0x94: {  	v10 =	vadd.s32 v54, v10;
	v55 =	vsel vm1, $0x1, v4;
	vm1 =	vgt.f32 v9, $5.142999890e-01  }
0x95: {  	v10 =	vadd.s32 v55, v10;
	v56 =	vsel vm1, $0x1, v4;
	vm1 =	vgt.f32 v9, $7.713999740e-01  }
0x96: {  	v10 =	vadd.s32 v56, v10;
	v57 =	vsel vm1, $0x1, v4;
	vm1 =	vgt.f32 v9, $1.028599980e+00  }
0x97: {  	v7 =	vadd.s32 v48, v7;
	v58 =	vadd.s32 v57, v10;
	v59 =	vsel vm1, $0x1, v4  }
0x98: {  	vm2 =	vgt.f32 v9, $1.285699960e+00;
	vm1 =	vgt.f32 v6, $1.542899970e+00;
	v8 =	vadd.s32 v59, v58  }
0x99: {  	v60 =	vsel vm1, $0x1, v4;
	vm1 =	vgt.f32 v6, $1.799999950e+00;
	v6 =	vsel vm2, $0x1, v4  }
0x9a: {  	vm2 =	vgt.f32 v9, $1.542899970e+00;
	v7 =	vadd.s32 v60, v7;
	v6 =	vadd.s32 v6, v8  }
0x9b: {  	v61 =	vsel vm1, $0x1, v4;
	vm1 =	vgt.f32 v9, $1.799999950e+00;
	v62 =	vsel vm2, $0x1, v4  }
0x9c: {  	v7 =	vadd.s32 v61, v7;
	v6 =	vadd.s32 v62, v6;
	v63 =	vsel vm1, $0x1, v4  }
0x9d: {  	[tilespmem:s18+$0x1000] =	vst v7;
	v6 =	vadd.s32 v63, v6  }
.Ltmp4:
0x9e: {  	[tilespmem:s19+$0x1000] =	vst v6;
	(pc) =	sbr.rel .LBB2_15-.Ltmp4, $4  }
0x9f: {  	[hbm4b:s10+s5] =	stream.linear.scatter [tilespmem:s13], [sflag:$0x1], $0x100, $0x38;
	[tilespmem:$0x2518] =	vst v63  }
0xa0: {  	_ =	swait.ge [sflag:s12], $0x100  }
0xa1: {  	[sflag:s12] =	ssyncset.done $0x0  }
0xa2: {  	[sflag:s12] =	ssyncadd.s32 $0xFFFFFF00  }
.LBB2_5:
0xa3: {  	[tilespmem:s18], [sflag:$0x1] =	stream.linear.gather [hbm4b:s0+s18], $0x1000, $0x38;
	[tilespmem:$0x2518] =	vst v63  }
0xa4: {  	_ =	swait.ge [sflag:s12], $0x1000  }
0xa5: {  	[sflag:s12] =	ssyncset.done $0x0  }
0xa6: {  	s19 =	simm.s32 $0x20;
	[sflag:s12] =	ssyncadd.s32 $0xFFFFF000  }
0xa7: {  	v6 =	vld [tilespmem:s19+$0xFFFFFFE0]  }
0xa8: {  	v7 =	vld [tilespmem:s19+$0xFFFFFFF0]  }
0xa9: {  	v8 =	vld [tilespmem:s19+$0x0]  }
0xaa: {  	v9 =	vld [tilespmem:s19+$0x10];
	_ =	sdelay $0x1  }
0xab: {  	vm1 =	vgt.f32 v6, v0  }
0xac: {  	vm2 =	vle.f32 v6, v1;
	vm3 =	vgt.f32 v7, v0;
	vm5 =	vle.f32 v7, v1  }
0xad: {  	vm4 =	vmand vm1, vm2;
	vm3 =	vmand vm3, vm5;
	vm1 =	vgt.f32 v8, v0  }
0xae: {  	vm2 =	vle.f32 v8, v1;
	vm5 =	vle.f32 v9, v1;
	v10 =	vsel vm4, $0x1, v4  }
0xaf: {  	v11 =	vsel vm3, $0x100, v4;
	vm1 =	vmand vm1, vm2;
	vm2 =	vgt.f32 v9, v0  }
0xb0: {  	v10 =	vor.u32 v10, v11;
	v11 =	vsel vm1, $0x10000, v4;
	vm2 =	vmand vm2, vm5  }
0xb1: {  	v10 =	vor.u32 v11, v10;
	v11 =	vsel vm2, $0x1000000, v4  }
0xb2: {  	v10 =	vor.u32 v11, v10  }
0xb3: {  	(xrf0) =	vadd.scan.msk.s32 $0xffff, v10  }
0xb4: {  	vm5 =	vle.f32 v6, v0  }
0xb5: {  	v6 =	vmpcnt.ones.xlane vm4;
	v12 =	vsel vm5, $0x1, v4  }
0xb6: {  	vm5 =	vle.f32 v7, v0;
	v11 =	vmpcnt.ones.xlane vm3;
	v10 =	vimm.s32 $0x0  }
0xb7: {  	v59 =	vsel vm5, $0x1, v4;
	vm5 =	vle.f32 v8, v0;
	v7 =	vadd.s32 v12, v10  }
0xb8: {  	v8 =	vsel vm5, $0x1, v4;
	v13 =	vadd.s32 v10, v6;
	v7 =	vadd.s32 v59, v7  }
0xb9: {  	vm5 =	vle.f32 v9, v0;
	v11 =	vadd.s32 v13, v11;
	v7 =	vadd.s32 v8, v7;
	v9, _, _ =	vpop (xrf0)  }
0xba: {  	v8 =	vand.u32 $0xFF, v9;
	v60 =	vshrl.u32 v9, $0x8;
	v62 =	vshrl.u32 v9, $0x10  }
0xbb: {  	v9 =	vshrl.u32 v9, $0x18;
	v6 =	vadd.s32 v8, v10;
	v8 =	vand.u32 $0xFF, v60  }
0xbc: {  	v10 =	vsel vm5, $0x1, v4;
	v61 =	vadd.s32 $0xFFFFFFFF, v6;
	v8 =	vadd.s32 v8, v13  }
0xbd: {  	v6 =	vadd.s32 v10, v7;
	v7 =	vadd.s32 $0xFFFFFFFF, v8;
	v8 =	vmpcnt.ones.xlane vm1  }
0xbe: {  	v12 =	vand.u32 $0xFF, v62;
	v10 =	vsel vm4, v61, v5;
	v14 =	vsel vm3, v7, v5  }
0xbf: {  	v7 =	vmpcnt.ones.xlane vm2;
	v8 =	vadd.s32 v11, v8;
	v11 =	vadd.s32 v12, v11  }
0xc0: {  	v11 =	vadd.s32 $0xFFFFFFFF, v11;
	v9 =	vadd.s32 v8, v9  }
0xc1: {  	v7 =	vadd.s32 v8, v7;
	v8 =	vadd.s32 $0xFFFFFFFF, v9;
	v9 =	vsel vm1, v11, v5  }
0xc2: {  	s20 =	simm.s32 $0x10;
	v63 =	vor.u32 s18, v3;
	v8 =	vsel vm2, v8, v5  }
0xc3: {  	[tilespmem:v10+s14+$0x0] =	vst.idx.msk $0xffff, v63;
	v10 =	vor.u32 s20, v3  }
0xc4: {  	s21 =	simm.s32 $0x20;
	s20 =	simm.s32 $0x40;
	[tilespmem:v14+s14+$0x0] =	vst.idx.msk $0xffff, v10  }
.LBB2_6:
0xc5: {  	p2 =	sne.s32 s20, $0xFC0;
	s18 =	sadd.s32 $0x30, s18;
	v10 =	vor.u32 s21, v3;
	s19 =	sadd.s32 $0x40, s19  }
0xc6: {  	[tilespmem:v9+s14+$0x0] =	vst.idx.msk $0xffff, v10;
	v9 =	vor.u32 s18, v3;
	s18 =	smov.u32 s20;
	s20 =	sadd.s32 $0x40, s20  }
0xc7: {  	[tilespmem:v8+s14+$0x0] =	vst.idx.msk $0xffff, v9  }
0xc8: {  	v8 =	vld [tilespmem:s19+$0xFFFFFFE0]  }
0xc9: {  	v9 =	vld [tilespmem:s19+$0xFFFFFFF0]  }
0xca: {  	v10 =	vld [tilespmem:s19+$0x0]  }
0xcb: {  	v11 =	vld [tilespmem:s19+$0x10];
	_ =	sdelay $0x1  }
0xcc: {  	vm1 =	vgt.f32 v8, v0;
	vm2 =	vle.f32 v8, v1;
	vm5 =	vle.f32 v8, v0  }
0xcd: {  	vm1 =	vmand vm1, vm2;
	vm2 =	vgt.f32 v9, v0;
	vm3 =	vle.f32 v9, v1  }
0xce: {  	vm2 =	vmand vm2, vm3;
	vm3 =	vgt.f32 v10, v0;
	vm4 =	vle.f32 v10, v1  }
0xcf: {  	v8 =	vsel vm1, $0x1, v4;
	v12 =	vsel vm2, $0x100, v4;
	vm6 =	vle.f32 v11, v1  }
0xd0: {  	vm4 =	vmand vm3, vm4;
	vm3 =	vgt.f32 v11, v0;
	v8 =	vor.u32 v8, v12  }
0xd1: {  	v13 =	vmpcnt.ones.xlane vm1;
	v12 =	vsel vm4, $0x10000, v4;
	vm3 =	vmand vm3, vm6  }
0xd2: {  	v14 =	vmpcnt.ones.xlane vm2;
	v8 =	vor.u32 v12, v8;
	v12 =	vsel vm3, $0x1000000, v4  }
0xd3: {  	v15 =	vsel vm5, $0x1, v4;
	vm5 =	vle.f32 v9, v0;
	v8 =	vor.u32 v12, v8  }
0xd4: {  	v6 =	vadd.s32 v15, v6;
	v9 =	vsel vm5, $0x1, v4;
	vm5 =	vle.f32 v10, v0;
	(xrf0) =	vadd.scan.msk.s32 $0xffff, v8  }
0xd5: {  	v6 =	vadd.s32 v9, v6;
	v8 =	vsel vm5, $0x1, v4;
	vm5 =	vle.f32 v11, v0  }
0xd6: {  	v6 =	vadd.s32 v8, v6;
	v8 =	vsel vm5, $0x1, v4  }
0xd7: {  	v6 =	vadd.s32 v8, v6;
	_ =	sdelay $0x2  }
0xd8: {  	v9 =	vmpcnt.ones.xlane vm4;
	v10 =	vmpcnt.ones.xlane vm3;
	v8 =	vadd.s32 v7, v13;
	v11, _, _ =	vpop (xrf0)  }
0xd9: {  	v14 =	vadd.s32 v8, v14;
	v12 =	vand.u32 $0xFF, v11;
	v13 =	vshrl.u32 v11, $0x8  }
0xda: {  	v9 =	vadd.s32 v14, v9;
	v7 =	vadd.s32 v12, v7;
	v12 =	vand.u32 $0xFF, v13  }
0xdb: {  	v7 =	vadd.s32 $0xFFFFFFFF, v7;
	v8 =	vadd.s32 v12, v8;
	v12 =	vshrl.u32 v11, $0x10  }
0xdc: {  	v13 =	vsel vm1, v7, v5;
	v7 =	vadd.s32 $0xFFFFFFFF, v8;
	v8 =	vand.u32 $0xFF, v12  }
0xdd: {  	v12 =	vsel vm2, v7, v5;
	v7 =	vadd.s32 v8, v14;
	v8 =	vshrl.u32 v11, $0x18  }
.Ltmp5:
0xde: {  	v11 =	vadd.s32 $0xFFFFFFFF, v7;
	v8 =	vadd.s32 v9, v8;
	v7 =	vadd.s32 v9, v10;
	(pc) =	sbr.rel @p2 .LBB2_6-.Ltmp5, $4  }
0xdf: {  	v9 =	vsel vm4, v11, v5;
	v8 =	vadd.s32 $0xFFFFFFFF, v8  }
0xe0: {  	s21 =	sadd.s32 $0x10, s18;
	v10 =	vor.u32 s18, v3;
	v8 =	vsel vm3, v8, v5  }
0xe1: {  	[tilespmem:v13+s14+$0x0] =	vst.idx.msk $0xffff, v10;
	v10 =	vor.u32 s21, v3  }
0xe2: {  	s21 =	sadd.s32 $0x20, s18;
	[tilespmem:v12+s14+$0x0] =	vst.idx.msk $0xffff, v10  }
0xe3: {  	v7 =	vxor.u32 $0x80000000, v7  }
0xe4: {  	(xrf0) =	vmax.scan.msk.u32 $0xffff, v7;
	_ =	sdelay $0x5  }
0xe5: {  	v7, _, _ =	vpop (xrf0)  }
0xe6: {  	(v2sf) =	vpush v7, $0xF;
	_ =	sdelay $0xe  }
0xe7: {  	s20 =	spop (v2sf)  }
0xe8: {  	s19 =	sadd.s32 $0x8000000F, s20  }
0xe9: {  	s22 =	sand.u32 $0xF, s19  }
0xea: {  	s31 =	sshra.s32 s19, $0x1F;
	p3 =	slt.s32 s19, $0x1;
	p2 =	sne.s32 s22, $0x0  }
0xeb: {  	s22 =	sshrl.u32 s31, $0x1C;
	p2 =	por !p3, !p2  }
0xec: {  	s19 =	sadd.s32 s22, s19;
	s22 =	simm.s32 $0x1;
	p2 =	por !p2, !p2  }
0xed: {  	s19 =	sshra.s32 s19, $0x4;
	s22 =	simm.s32 @!p2 $0x0  }
0xee: {  	s19 =	ssub.s32 s19, s22  }
0xef: {  	p2 =	sgt.s32 s19, $0x0  }
.Ltmp6:
0xf0: {  	_ = 	snop;
	(pc) =	sbr.rel @!p2 .LBB2_14-.Ltmp6, $4  }
0xf1: {  	_ = 	snop  }
0xf2: {  	s18 =	sadd.s32 $0x30, s18;
	v7 =	vor.u32 s21, v3  }
0xf3: {  	[tilespmem:v9+s14+$0x0] =	vst.idx.msk $0xffff, v7;
	v7 =	vor.u32 s18, v3;
	s18 =	sxor.u32 $0x80000000, s20  }
0xf4: {  	[tilespmem:v8+s14+$0x0] =	vst.idx.msk $0xffff, v7;
	v7 =	vmov s18  }
0xf5: {  	(xrf0) =	vadd.scan.msk.s32 $0xffff, v6;
	_ =	sdelay $0x4  }
0xf6: {  	p3 =	sne.s32 s19, $0x1  }
.Ltmp7:
0xf7: {  	v6, _, _ =	vpop (xrf0);
	(pc) =	sbr.rel @!p3 .LBB2_9-.Ltmp7, $4  }
0xf8: {  	s20 =	simm.s32 $0x0;
	v6 =	vbroadcast v6, $0xF  }
0xf9: {  	v7 =	vmov s18;
	v8 =	vor.u32 s20, v3  }
0xfa: {  	s18 =	simm.s32 $0x1100;
	vm1 =	vlt.s32 v8, v7;
	v8 =	vadd.s32 v6, v8  }
0xfb: {  	s19 =	sadd.s32 $0xFFFFFFFF, s19;
	p2 =	por $0x0, $0x0;
	s20 =	simm.s32 $0x10;
	v8 =	vsel vm1, v8, v2  }
0xfc: {  	_ =	sdelay $0x3  }
0xfd: {  	[spmem:s3] =	stream.indirect_vreg.scatter [tilespmem:s18], [sflag:$0x1], $0x1, v8, vm0, $0xb8;
	[tilespmem:$0x2518] =	vst v63  }
0xfe: {  	v8 =	vor.u32 s20, v3;
	p3 =	sne.s32 s19, $0x1  }
.Ltmp8:
0xff: {  	vm1 =	vlt.s32 v8, v7;
	v8 =	vadd.s32 v6, v8;
	(pc) =	sbr.rel @!p3 .LBB2_11-.Ltmp8, $3  }
0x100: {  	v8 =	vsel vm1, v8, v2;
	_ =	sdelay $0x1  }
0x101: {  	s19 =	sadd.s32 $0xFFFFFFFF, s19;
	s21 =	simm.s32 $0x20;
	_ =	swait.ge [sflag:s12], $0x10  }
0x102: {  	p2 =	por $0x1, $0x1;
	s20 =	simm.s32 $0x1100;
	[sflag:s12] =	ssyncset.done $0x0  }
.LBB2_12:
0x103: {  	v9 =	vor.u32 s21, v3;
	[sflag:s12] =	ssyncadd.s32 $0xFFFFFFF0;
	s20 =	sadd.s32 $0x10, s20;
	p3 =	sne.s32 s19, $0x1  }
0x104: {  	[spmem:s3] =	stream.indirect_vreg.scatter [tilespmem:s20], [sflag:$0x1], $0x1, v8, vm0, $0xb8;
	[tilespmem:$0x2518] =	vst v63  }
.Ltmp9:
0x105: {  	vm1 =	vlt.s32 v9, v7;
	v9 =	vadd.s32 v6, v9;
	(pc) =	sbr.rel @p3 .LBB2_12-.Ltmp9, $4  }
0x106: {  	v8 =	vsel vm1, v9, v2  }
0x107: {  	s19 =	sadd.s32 $0xFFFFFFFF, s19  }
0x108: {  	_ =	swait.ge [sflag:s12], $0x10  }
0x109: {  	s21 =	sadd.s32 $0x10, s21;
	[sflag:s12] =	ssyncset.done $0x0  }
.Ltmp10:
0x10a: {  	_ = 	snop;
	(pc) =	sbr.rel .LBB2_13-.Ltmp10, $1  }
0x10b: {  	_ =	sdelay $0x3  }
.LBB2_11:
.Ltmp11:
0x10c: {  	(pc) =	sbr.rel .LBB2_13-.Ltmp11, $2  }
0x10d: {  	_ =	sdelay $0x2  }
0x10e: {  	s20 =	simm.s32 $0x1100  }
.LBB2_16:
0x10f: {  	_ =	sfence.sel $0x180000  }
0x110: {  	[bflag:$0x0] =	sbarrier.arrive $0xFFFF  }
0x111: {  	_ =	strace $0x90000047  }
0x112: {  	s0 =	sadd.s32 @!p0 $0x100000, s1;
	[bflag:$0x2] =	sbarrier.arrive $0xFFFF  }
0x113: {  	[sflag:s0] =	ssyncadd.tile.s32 @!p0 $0x1;
	_ =	shalt  }
.Lfunc_end2:
_tile_overlayer_lowered:
.L_overlay_start_2:
0x114: {  	(tag) =	ssettag $0x2  }
0x115: {  	s0 =	rddreg [dreg:$0x0];
	s2 =	stileid.u32  }
0x116: {  	s1 =	rddreg [dreg:$0x1];
	p0 =	sne.s32 s2, $0x0  }
0x117: {  	s3 =	rddreg [dreg:$0x2];
	[bflag:$0x3] =	sbarrier.arrive $0xFFFF;
	s2 =	simm.s32 @!p0 $0x1C01  }
0x118: {  	[timem:s3], [sflag:s2] =	dma.local @!p0 [hbm:s0], s1  }
0x119: {  	s0 =	simm.s32 @!p0 $0x1  }
0x11a: {  	_ =	swait.ge @!p0 [sflag:s0], s1  }
0x11b: {  	s1 =	ssub.s32 @!p0 $0x0, s1;
	[sflag:s0] =	ssyncset.done @!p0 $0x0  }
0x11c: {  	[sflag:s0] =	ssyncadd.s32 @!p0 s1  }
0x11d: {  	[bflag:$0x3] =	sbarrier.arrive $0xFFFF  }
0x11e: {  	_ =	shalt  }

</sc_bundles>
